<compile_context>
chip_gen: v7x
topology: tpu7x:2x2x1
jax: 0.10.2.dev20260603
libtpu: 0.0.44.dev20260713+nightly
codegen_flags: <defaults>
</compile_context>

<pallas_src>
import functools

import jax
import jax.numpy as jnp
from jax import lax
from jax.experimental import pallas as pl
from jax.experimental.pallas import tpu as pltpu
from jax.experimental.pallas import tpu_sc as plsc

_N_REF, _N_SRC, _R, _S, _D, _C = 4096, 4096, 512, 512, 128, 2048
_NC, _NS = 2, 16
_NW = _NC * _NS
_RPW = _R // _NW
_RB = 16


def _feat_body(ridx_f_ref, sidx_f_ref, ref_feats_ref, src_feats_ref,
               ref_pts_ref, src_pts_ref,
               out_ref, rpts_out_ref, spts_out_ref, rfs_ref, sfs_ref):
    ib = pl.program_id(0)

    @pl.when(ib == 0)
    def _prep():
        iota_r = lax.broadcasted_iota(jnp.int32, (_R, _N_REF), 1).astype(jnp.float32)
        oh_r = (ridx_f_ref[...] == iota_r).astype(jnp.float32)
        rfs_ref[...] = jnp.dot(oh_r, ref_feats_ref[...],
                               preferred_element_type=jnp.float32)
        rpts_out_ref[...] = jnp.dot(oh_r, ref_pts_ref[...],
                                    preferred_element_type=jnp.float32)
        iota_s = lax.broadcasted_iota(jnp.int32, (_S, _N_SRC), 1).astype(jnp.float32)
        oh_s = (sidx_f_ref[...] == iota_s).astype(jnp.float32)
        sfs_ref[...] = jnp.dot(oh_s, src_feats_ref[...],
                               preferred_element_type=jnp.float32)
        spts_out_ref[...] = jnp.dot(oh_s, src_pts_ref[...],
                                    preferred_element_type=jnp.float32)

    rows = rfs_ref[pl.ds(ib * _RB, _RB), :]
    out_ref[:, :, :_D] = jnp.broadcast_to(rows[:, None, :], (_RB, _S, _D))
    out_ref[:, :, _D:] = jnp.broadcast_to(sfs_ref[...][None, :, :],
                                          (_RB, _S, _D))


_feat_call = pl.pallas_call(
    _feat_body,
    grid=(_R // _RB,),
    in_specs=[
        pl.BlockSpec((_R, 1), lambda i: (0, 0)),
        pl.BlockSpec((_S, 1), lambda i: (0, 0)),
        pl.BlockSpec((_N_REF, _D), lambda i: (0, 0)),
        pl.BlockSpec((_N_SRC, _D), lambda i: (0, 0)),
        pl.BlockSpec((_N_REF, 3), lambda i: (0, 0)),
        pl.BlockSpec((_N_SRC, 3), lambda i: (0, 0)),
    ],
    out_specs=[
        pl.BlockSpec((_RB, _S, 2 * _D), lambda i: (i, 0, 0)),
        pl.BlockSpec((_R, 3), lambda i: (0, 0)),
        pl.BlockSpec((_S, 3), lambda i: (0, 0)),
    ],
    out_shape=[
        jax.ShapeDtypeStruct((_R, _S, 2 * _D), jnp.float32),
        jax.ShapeDtypeStruct((_R, 3), jnp.float32),
        jax.ShapeDtypeStruct((_S, 3), jnp.float32),
    ],
    scratch_shapes=[
        pltpu.VMEM((_R, _D), jnp.float32),
        pltpu.VMEM((_S, _D), jnp.float32),
    ],
    compiler_params=pltpu.CompilerParams(
        dimension_semantics=("arbitrary",),
        allow_input_fusion=[True, True, False, False, False, False],
    ),
)


def _sc_body(gt_score, ridx, sidx, pairs, corr_out, icorr_out, score_out,
             idx_v, sidx_v, rows_v, srow_v, cbuf_v, pr_v, pc_v, sem):
    wid = lax.axis_index("s") * _NC + lax.axis_index("c")
    base = wid * _RPW
    lane = lax.iota(jnp.int32, 16)
    ones16 = jnp.full((16,), 1.0, jnp.float32)

    pltpu.sync_copy(ridx.at[pl.ds(base, _RPW)], idx_v)
    pltpu.sync_copy(sidx, sidx_v)
    row_cp = pltpu.async_copy(gt_score.at[idx_v], rows_v, sem)

    def _corr(which, out_hbm):
        pltpu.sync_copy(pairs.at[2 * which], pr_v)
        pltpu.sync_copy(pairs.at[2 * which + 1], pc_v)
        neg16 = -ones16

        def fill(t, carry):
            for j in range(4):
                u = t * 4 + j
                plsc.store_scatter(cbuf_v, [jnp.full((16,), u // 32, jnp.int32),
                                            (u % 32) * 16 + lane], neg16)
            return carry

        lax.fori_loop(0, _RPW * 8, fill, 0)

        def scat(k, carry):
            for j in range(4):
                off = k * 64 + j * 16
                rv = plsc.load_gather(pr_v, [off + lane])
                cv = plsc.load_gather(pc_v, [off + lane])
                lr = rv - base
                m = (lr >= 0) & (lr < _RPW)
                lrc = jnp.clip(lr, 0, _RPW - 1)
                plsc.store_scatter(cbuf_v, [lrc, cv], ones16, mask=m)
            return carry

        lax.fori_loop(0, _C // 64, scat, 0)
        pltpu.sync_copy(cbuf_v, out_hbm.at[pl.ds(base, _RPW)])

    _corr(0, corr_out)
    _corr(1, icorr_out)

    row_cp.wait()

    def srloop(c, carry):
        cols = plsc.load_gather(sidx_v, [c * 16 + lane])
        for r in range(_RPW):
            rvec = jnp.full((16,), r, jnp.int32)
            vals = plsc.load_gather(rows_v, [rvec, cols])
            plsc.store_scatter(srow_v, [rvec, c * 16 + lane], vals)
        return carry

    lax.fori_loop(0, _S // 16, srloop, 0)
    pltpu.sync_copy(srow_v, score_out.at[pl.ds(base, _RPW)])


@functools.cache
def _make_sc_call():
    return pl.kernel(
        _sc_body,
        out_type=[
            jax.ShapeDtypeStruct((_R, _S), jnp.float32),
            jax.ShapeDtypeStruct((_R, _S), jnp.float32),
            jax.ShapeDtypeStruct((_R, _S), jnp.float32),
        ],
        mesh=plsc.VectorSubcoreMesh(core_axis_name="c", subcore_axis_name="s"),
        scratch_types=[
            pltpu.VMEM((_RPW,), jnp.int32),
            pltpu.VMEM((_S,), jnp.int32),
            pltpu.VMEM((_RPW, _N_SRC), jnp.float32),
            pltpu.VMEM((_RPW, _S), jnp.float32),
            pltpu.VMEM((_RPW, _S), jnp.float32),
            pltpu.VMEM((_C,), jnp.int32),
            pltpu.VMEM((_C,), jnp.int32),
            pltpu.SemaphoreType.DMA,
        ],
        compiler_params=pltpu.CompilerParams(needs_layout_passes=False),
    )


def kernel(ref_points, src_points, ref_feats, src_feats, gt_score,
           ref_sample_indices, src_sample_indices, gt_corr_sampled,
           init_corr_sampled):
    ridx = ref_sample_indices.astype(jnp.int32)
    sidx = src_sample_indices.astype(jnp.int32)
    ridx_f = ridx.astype(jnp.float32).reshape(_R, 1)
    sidx_f = sidx.astype(jnp.float32).reshape(_S, 1)
    feat, rpts_s, spts_s = _feat_call(ridx_f, sidx_f, ref_feats, src_feats,
                                      ref_points, src_points)
    pairs = jnp.stack([
        gt_corr_sampled[:, 0], gt_corr_sampled[:, 1],
        init_corr_sampled[:, 0], init_corr_sampled[:, 1],
    ]).astype(jnp.int32)
    corr, icorr, score_s = _make_sc_call()(gt_score, ridx, sidx, pairs)
    return (rpts_s, spts_s, corr, icorr, score_s, feat)

# --- scband reference (transcript-rebuilt; emitter-appended) ---
"""Pipeline reference for scband-cordi-11974368822035 (READ-ONLY COPY).

The authoritative reference and input builder live on the scoring server;
editing this copy changes nothing except your own understanding.
"""

import jax, jax.numpy as jnp
import numpy as np

N_REF, N_SRC, R, S, D, C = 4096, 4096, 512, 512, 128, 2048


def setup_inputs(seed: int = 0) -> dict:
    key = jax.random.key(seed)
    ks = jax.random.split(key, 9)
    ref_points = jax.random.normal(ks[0], (N_REF, 3), dtype=jnp.float32)
    src_points = jax.random.normal(ks[1], (N_SRC, 3), dtype=jnp.float32)
    ref_feats = jax.random.normal(ks[2], (N_REF, D), dtype=jnp.float32)
    src_feats = jax.random.normal(ks[3], (N_SRC, D), dtype=jnp.float32)
    gt_score = jax.random.uniform(ks[4], (N_REF, N_SRC), dtype=jnp.float32)
    ref_sample_indices = jax.random.randint(ks[5], (R,), 0, N_REF, dtype=jnp.int64) if jax.config.jax_enable_x64 else jax.random.randint(ks[5], (R,), 0, N_REF).astype(jnp.int32)
    src_sample_indices = jax.random.randint(ks[6], (S,), 0, N_SRC).astype(jnp.int32)
    ref_sample_indices = jax.random.randint(ks[5], (R,), 0, N_REF).astype(jnp.int32)
    gt_corr_sampled = jax.random.randint(ks[7], (C, 2), 0, R).astype(jnp.int32)
    init_corr_sampled = jax.random.randint(ks[8], (C, 2), 0, R).astype(jnp.int32)
    return {
        'ref_points': ref_points,
        'src_points': src_points,
        'ref_feats': ref_feats,
        'src_feats': src_feats,
        'gt_score': gt_score,
        'ref_sample_indices': ref_sample_indices,
        'src_sample_indices': src_sample_indices,
        'gt_corr_sampled': gt_corr_sampled,
        'init_corr_sampled': init_corr_sampled,
    }


def reference(ref_points, src_points, ref_feats, src_feats, gt_score,
              ref_sample_indices, src_sample_indices, gt_corr_sampled, init_corr_sampled):
    # Gather sampled points / features (ref_points[ref_sample_indices] etc.)
    ref_points_s = jnp.take(ref_points, ref_sample_indices, axis=0)
    src_points_s = jnp.take(src_points, src_sample_indices, axis=0)
    ref_feats_s = jnp.take(ref_feats, ref_sample_indices, axis=0)
    src_feats_s = jnp.take(src_feats, src_sample_indices, axis=0)

    r = ref_points_s.shape[0]
    s = src_points_s.shape[0]

    # corr_matrix = full(-1); corr_matrix[pair[0], pair[1]] = 1.0  (scatter-overwrite)
    corr_matrix = jnp.full((r, s), -1.0, dtype=jnp.float32)
    corr_matrix = corr_matrix.at[gt_corr_sampled[:, 0], gt_corr_sampled[:, 1]].set(1.0)

    init_corr_matrix = jnp.full((r, s), -1.0, dtype=jnp.float32)
    init_corr_matrix = init_corr_matrix.at[init_corr_sampled[:, 0], init_corr_sampled[:, 1]].set(1.0)

    # gt_corr_score_matrix_sampled[i, j] = gt_score[ref_sample_indices[i], src_sample_indices[j]] (2D gather)
    score_s = gt_score[ref_sample_indices[:, None], src_sample_indices[None, :]]

    # feat_matrix = cat([ref.unsqueeze(1).repeat, src.unsqueeze(0).repeat], dim=-1)
    feat_matrix = jnp.concatenate([
        jnp.broadcast_to(ref_feats_s[:, None, :], (r, s, ref_feats_s.shape[1])),
        jnp.broadcast_to(src_feats_s[None, :, :], (r, s, src_feats_s.shape[1])),
    ], axis=-1)

    return (ref_points_s, src_points_s, corr_matrix, init_corr_matrix, score_s, feat_matrix)

if __name__ == "__main__":
    import jax
    _d = setup_inputs()
    print(jax.jit(kernel)(*tuple(_d.values())))

</pallas_src>

<mosaic_0001>
#map = affine_map<(d0, d1) -> (0, 0)>
#map1 = affine_map<(d0, d1) -> (0)>
module attributes {stable_mosaic.version = 14 : i64} {
  func.func @_sc_body(%arg0: i32, %arg1: i32, %arg2: memref<4096x4096xf32, #tpu.memory_space<hbm>>, %arg3: memref<512xi32, #tpu.memory_space<hbm>>, %arg4: memref<512xi32, #tpu.memory_space<hbm>>, %arg5: memref<4x2048xi32, #tpu.memory_space<hbm>>, %arg6: memref<512x512xf32, #tpu.memory_space<hbm>>, %arg7: memref<512x512xf32, #tpu.memory_space<hbm>>, %arg8: memref<512x512xf32, #tpu.memory_space<hbm>>, %arg9: memref<16xi32, #tpu.memory_space<vmem>>, %arg10: memref<512xi32, #tpu.memory_space<vmem>>, %arg11: memref<16x4096xf32, #tpu.memory_space<vmem>>, %arg12: memref<16x512xf32, #tpu.memory_space<vmem>>, %arg13: memref<16x512xf32, #tpu.memory_space<vmem>>, %arg14: memref<2048xi32, #tpu.memory_space<vmem>>, %arg15: memref<2048xi32, #tpu.memory_space<vmem>>, %arg16: memref<!tpu.dma_semaphore, #tpu.memory_space<semaphore_mem>>) attributes {dimension_semantics = [#tpu.dimension_semantics<core_parallel>, #tpu.dimension_semantics<subcore_parallel>], iteration_bounds = array<i64: 2, 16>, scalar_prefetch = 0 : i64, scratch_operands = 8 : i64, tpu.core_type = #tpu.core_type<sc_vector_subcore>, window_params = [{transform_indices = #map}, {transform_indices = #map1}, {transform_indices = #map1}, {transform_indices = #map}, {transform_indices = #map}, {transform_indices = #map}, {transform_indices = #map}]} {
    %mul3A = arith.constant 2 : i32
    %mul3A_0 = arith.muli %arg1, %mul3A : i32
    %add3A = arith.addi %mul3A_0, %arg0 : i32
    %mul3A_1 = arith.constant 16 : i32
    %mul3A_2 = arith.muli %add3A, %mul3A_1 : i32
    %iota3A = tpu.iota {dimensions = array<i32: 0>} : vector<16xi32>
    %broadcast_in_dim3A = arith.constant 1.000000e+00 : f32
    %broadcast_in_dim3A_3 = vector.broadcast %broadcast_in_dim3A : f32 to vector<16xf32>
    "tpu.region"() ({
      %run_scoped3A_45 = tpu.sem_alloc : memref<!tpu.dma_semaphore, #tpu.memory_space<semaphore_mem>>
      %dma_start3A_46 = tpu.memref_slice %arg3[%mul3A_2] : memref<512xi32, #tpu.memory_space<hbm>> -> memref<16xi32, #tpu.memory_space<hbm>>
      %dma_start3A_47 = tpu.memref_slice %arg3[%mul3A_2] : memref<512xi32, #tpu.memory_space<hbm>> -> memref<16xi32, #tpu.memory_space<hbm>>
      tpu.enqueue_dma source(%dma_start3A_47 : memref<16xi32, #tpu.memory_space<hbm>>) target(%arg9 : memref<16xi32, #tpu.memory_space<vmem>>) target_semaphore(%run_scoped3A_45 : memref<!tpu.dma_semaphore, #tpu.memory_space<semaphore_mem>>)
      %dma_wait3A_48 = tpu.memref_slice %arg3[%mul3A_2] : memref<512xi32, #tpu.memory_space<hbm>> -> memref<16xi32, #tpu.memory_space<hbm>>
      %dma_wait3A_49 = tpu.memref_slice %arg3[%mul3A_2] : memref<512xi32, #tpu.memory_space<hbm>> -> memref<16xi32, #tpu.memory_space<hbm>>
      tpu.wait_dma2 semaphore(%run_scoped3A_45 : memref<!tpu.dma_semaphore, #tpu.memory_space<semaphore_mem>>) src(%dma_wait3A_49 : memref<16xi32, #tpu.memory_space<hbm>>) dst(%arg9 : memref<16xi32, #tpu.memory_space<vmem>>)
      tpu.yield
    }) : () -> ()
    "tpu.region"() ({
      %run_scoped3A_45 = tpu.sem_alloc : memref<!tpu.dma_semaphore, #tpu.memory_space<semaphore_mem>>
      tpu.enqueue_dma source(%arg4 : memref<512xi32, #tpu.memory_space<hbm>>) target(%arg10 : memref<512xi32, #tpu.memory_space<vmem>>) target_semaphore(%run_scoped3A_45 : memref<!tpu.dma_semaphore, #tpu.memory_space<semaphore_mem>>)
      tpu.wait_dma2 semaphore(%run_scoped3A_45 : memref<!tpu.dma_semaphore, #tpu.memory_space<semaphore_mem>>) src(%arg4 : memref<512xi32, #tpu.memory_space<hbm>>) dst(%arg10 : memref<512xi32, #tpu.memory_space<vmem>>)
      tpu.yield
    }) : () -> ()
    %dma_start3A = arith.constant 0 : i32
    %dma_start3A_4 = arith.constant 0 : i32
    %dma_start3A_5 = tpu.memref_slice %arg2[%dma_start3A, %dma_start3A_4] : memref<4096x4096xf32, #tpu.memory_space<hbm>> -> memref<4096x4096xf32, #tpu.memory_space<hbm>>
    tpu.enqueue_indirect_dma source(%dma_start3A_5 : memref<4096x4096xf32, #tpu.memory_space<hbm>>) target(%arg11 : memref<16x4096xf32, #tpu.memory_space<vmem>>) offsets(%arg9 : memref<16xi32, #tpu.memory_space<vmem>>) semaphore(%arg16 : memref<!tpu.dma_semaphore, #tpu.memory_space<semaphore_mem>>)
    %run_scoped3A = arith.constant 0 : i32
    "tpu.region"() ({
      %run_scoped3A_45 = tpu.sem_alloc : memref<!tpu.dma_semaphore, #tpu.memory_space<semaphore_mem>>
      %dma_start3A_46 = arith.constant 0 : i32
      %dma_start3A_47 = tpu.memref_slice %arg5[%run_scoped3A, %dma_start3A_46] : memref<4x2048xi32, #tpu.memory_space<hbm>> -> memref<1x2048xi32, #tpu.memory_space<hbm>>
      %dma_start3A_48 = tpu.memref_squeeze %dma_start3A_47 : memref<1x2048xi32, #tpu.memory_space<hbm>> -> memref<2048xi32, #tpu.memory_space<hbm>>
      %dma_start3A_49 = arith.constant 0 : i32
      %dma_start3A_50 = tpu.memref_slice %arg5[%run_scoped3A, %dma_start3A_49] : memref<4x2048xi32, #tpu.memory_space<hbm>> -> memref<1x2048xi32, #tpu.memory_space<hbm>>
      %dma_start3A_51 = tpu.memref_squeeze %dma_start3A_50 : memref<1x2048xi32, #tpu.memory_space<hbm>> -> memref<2048xi32, #tpu.memory_space<hbm>>
      tpu.enqueue_dma source(%dma_start3A_51 : memref<2048xi32, #tpu.memory_space<hbm>>) target(%arg14 : memref<2048xi32, #tpu.memory_space<vmem>>) target_semaphore(%run_scoped3A_45 : memref<!tpu.dma_semaphore, #tpu.memory_space<semaphore_mem>>)
      %dma_wait3A_52 = arith.constant 0 : i32
      %dma_wait3A_53 = tpu.memref_slice %arg5[%run_scoped3A, %dma_wait3A_52] : memref<4x2048xi32, #tpu.memory_space<hbm>> -> memref<1x2048xi32, #tpu.memory_space<hbm>>
      %dma_wait3A_54 = tpu.memref_squeeze %dma_wait3A_53 : memref<1x2048xi32, #tpu.memory_space<hbm>> -> memref<2048xi32, #tpu.memory_space<hbm>>
      %dma_wait3A_55 = arith.constant 0 : i32
      %dma_wait3A_56 = tpu.memref_slice %arg5[%run_scoped3A, %dma_wait3A_55] : memref<4x2048xi32, #tpu.memory_space<hbm>> -> memref<1x2048xi32, #tpu.memory_space<hbm>>
      %dma_wait3A_57 = tpu.memref_squeeze %dma_wait3A_56 : memref<1x2048xi32, #tpu.memory_space<hbm>> -> memref<2048xi32, #tpu.memory_space<hbm>>
      tpu.wait_dma2 semaphore(%run_scoped3A_45 : memref<!tpu.dma_semaphore, #tpu.memory_space<semaphore_mem>>) src(%dma_wait3A_57 : memref<2048xi32, #tpu.memory_space<hbm>>) dst(%arg14 : memref<2048xi32, #tpu.memory_space<vmem>>)
      tpu.yield
    }) : () -> ()
    %run_scoped3A_6 = arith.constant 1 : i32
    "tpu.region"() ({
      %run_scoped3A_45 = tpu.sem_alloc : memref<!tpu.dma_semaphore, #tpu.memory_space<semaphore_mem>>
      %dma_start3A_46 = arith.constant 0 : i32
      %dma_start3A_47 = tpu.memref_slice %arg5[%run_scoped3A_6, %dma_start3A_46] : memref<4x2048xi32, #tpu.memory_space<hbm>> -> memref<1x2048xi32, #tpu.memory_space<hbm>>
      %dma_start3A_48 = tpu.memref_squeeze %dma_start3A_47 : memref<1x2048xi32, #tpu.memory_space<hbm>> -> memref<2048xi32, #tpu.memory_space<hbm>>
      %dma_start3A_49 = arith.constant 0 : i32
      %dma_start3A_50 = tpu.memref_slice %arg5[%run_scoped3A_6, %dma_start3A_49] : memref<4x2048xi32, #tpu.memory_space<hbm>> -> memref<1x2048xi32, #tpu.memory_space<hbm>>
      %dma_start3A_51 = tpu.memref_squeeze %dma_start3A_50 : memref<1x2048xi32, #tpu.memory_space<hbm>> -> memref<2048xi32, #tpu.memory_space<hbm>>
      tpu.enqueue_dma source(%dma_start3A_51 : memref<2048xi32, #tpu.memory_space<hbm>>) target(%arg15 : memref<2048xi32, #tpu.memory_space<vmem>>) target_semaphore(%run_scoped3A_45 : memref<!tpu.dma_semaphore, #tpu.memory_space<semaphore_mem>>)
      %dma_wait3A_52 = arith.constant 0 : i32
      %dma_wait3A_53 = tpu.memref_slice %arg5[%run_scoped3A_6, %dma_wait3A_52] : memref<4x2048xi32, #tpu.memory_space<hbm>> -> memref<1x2048xi32, #tpu.memory_space<hbm>>
      %dma_wait3A_54 = tpu.memref_squeeze %dma_wait3A_53 : memref<1x2048xi32, #tpu.memory_space<hbm>> -> memref<2048xi32, #tpu.memory_space<hbm>>
      %dma_wait3A_55 = arith.constant 0 : i32
      %dma_wait3A_56 = tpu.memref_slice %arg5[%run_scoped3A_6, %dma_wait3A_55] : memref<4x2048xi32, #tpu.memory_space<hbm>> -> memref<1x2048xi32, #tpu.memory_space<hbm>>
      %dma_wait3A_57 = tpu.memref_squeeze %dma_wait3A_56 : memref<1x2048xi32, #tpu.memory_space<hbm>> -> memref<2048xi32, #tpu.memory_space<hbm>>
      tpu.wait_dma2 semaphore(%run_scoped3A_45 : memref<!tpu.dma_semaphore, #tpu.memory_space<semaphore_mem>>) src(%dma_wait3A_57 : memref<2048xi32, #tpu.memory_space<hbm>>) dst(%arg15 : memref<2048xi32, #tpu.memory_space<vmem>>)
      tpu.yield
    }) : () -> ()
    %neg3A = arith.constant 0.000000e+00 : f32
    %neg3A_7 = vector.broadcast %neg3A : f32 to vector<16xf32>
    %neg3A_8 = arith.subf %neg3A_7, %broadcast_in_dim3A_3 : vector<16xf32>
    %scan3A = arith.constant 0 : i32
    %scan3A_9 = arith.constant 0 : i32
    %scan3A_10 = arith.constant 128 : i32
    %scan3A_11 = arith.addi %scan3A_9, %scan3A_10 : i32
    %scan3A_12 = arith.constant 1 : i32
    scf.for %scan3A_45 = %scan3A_9 to %scan3A_11 step %scan3A_12  : i32 {
      %mul3A_46 = arith.constant 4 : i32
      %mul3A_47 = arith.muli %scan3A_45, %mul3A_46 : i32
      %add3A_48 = arith.constant 0 : i32
      %add3A_49 = arith.addi %mul3A_47, %add3A_48 : i32
      %jit3A = arith.constant 32 : i32
      %div3A = arith.divsi %add3A_49, %jit3A : i32
      %sign3A = arith.constant 0 : i32
      %sign3A_50 = arith.cmpi sgt, %add3A_49, %sign3A : i32
      %sign3A_51 = arith.extui %sign3A_50 : i1 to i32
      %sign3A_52 = arith.constant 0 : i32
      %sign3A_53 = arith.cmpi slt, %add3A_49, %sign3A_52 : i32
      %sign3A_54 = arith.extui %sign3A_53 : i1 to i32
      %sign3A_55 = arith.subi %sign3A_51, %sign3A_54 : i32
      %sign3A_56 = arith.constant 0 : i32
      %sign3A_57 = arith.cmpi sgt, %jit3A, %sign3A_56 : i32
      %sign3A_58 = arith.extui %sign3A_57 : i1 to i32
      %sign3A_59 = arith.constant 0 : i32
      %sign3A_60 = arith.cmpi slt, %jit3A, %sign3A_59 : i32
      %sign3A_61 = arith.extui %sign3A_60 : i1 to i32
      %sign3A_62 = arith.subi %sign3A_58, %sign3A_61 : i32
      %ne3A = arith.cmpi ne, %sign3A_55, %sign3A_62 : i32
      %rem3A = arith.remsi %add3A_49, %jit3A : i32
      %ne3A_63 = arith.constant 0 : i32
      %ne3A_64 = arith.cmpi ne, %rem3A, %ne3A_63 : i32
      %and3A = arith.andi %ne3A, %ne3A_64 : i1
      %sub3A = arith.constant 1 : i32
      %sub3A_65 = arith.subi %div3A, %sub3A : i32
      %select_n3A = arith.select %and3A, %sub3A_65, %div3A : i32
      %broadcast_in_dim3A_66 = vector.broadcast %select_n3A : i32 to vector<16xi32>
      %jit3A_67 = arith.constant 32 : i32
      %eq3A = arith.constant 0 : i32
      %eq3A_68 = arith.cmpi eq, %jit3A_67, %eq3A : i32
      %jit3A_69 = arith.constant 1 : i32
      %select_n3A_70 = arith.select %eq3A_68, %jit3A_69, %jit3A_67 : i32
      %rem3A_71 = arith.remsi %add3A_49, %select_n3A_70 : i32
      %ne3A_72 = arith.constant 0 : i32
      %ne3A_73 = arith.cmpi ne, %rem3A_71, %ne3A_72 : i32
      %lt3A = arith.constant 0 : i32
      %lt3A_74 = arith.cmpi slt, %rem3A_71, %lt3A : i32
      %lt3A_75 = arith.constant 0 : i32
      %lt3A_76 = arith.cmpi slt, %select_n3A_70, %lt3A_75 : i32
      %ne3A_77 = arith.xori %lt3A_74, %lt3A_76 : i1
      %and3A_78 = arith.andi %ne3A_77, %ne3A_73 : i1
      %add3A_79 = arith.addi %rem3A_71, %select_n3A_70 : i32
      %select_n3A_80 = arith.select %and3A_78, %add3A_79, %rem3A_71 : i32
      %mul3A_81 = arith.constant 16 : i32
      %mul3A_82 = arith.muli %select_n3A_80, %mul3A_81 : i32
      %add3A_83 = vector.broadcast %mul3A_82 : i32 to vector<16xi32>
      %add3A_84 = arith.addi %add3A_83, %iota3A : vector<16xi32>
      tpu.vector_store_idx %arg13[%broadcast_in_dim3A_66, %add3A_84], %neg3A_8 : memref<16x512xf32, #tpu.memory_space<vmem>>[vector<16xi32>, vector<16xi32>], vector<16xf32>,
      %mul3A_85 = arith.constant 4 : i32
      %mul3A_86 = arith.muli %scan3A_45, %mul3A_85 : i32
      %add3A_87 = arith.constant 1 : i32
      %add3A_88 = arith.addi %mul3A_86, %add3A_87 : i32
      %jit3A_89 = arith.constant 32 : i32
      %div3A_90 = arith.divsi %add3A_88, %jit3A_89 : i32
      %sign3A_91 = arith.constant 0 : i32
      %sign3A_92 = arith.cmpi sgt, %add3A_88, %sign3A_91 : i32
      %sign3A_93 = arith.extui %sign3A_92 : i1 to i32
      %sign3A_94 = arith.constant 0 : i32
      %sign3A_95 = arith.cmpi slt, %add3A_88, %sign3A_94 : i32
      %sign3A_96 = arith.extui %sign3A_95 : i1 to i32
      %sign3A_97 = arith.subi %sign3A_93, %sign3A_96 : i32
      %sign3A_98 = arith.constant 0 : i32
      %sign3A_99 = arith.cmpi sgt, %jit3A_89, %sign3A_98 : i32
      %sign3A_100 = arith.extui %sign3A_99 : i1 to i32
      %sign3A_101 = arith.constant 0 : i32
      %sign3A_102 = arith.cmpi slt, %jit3A_89, %sign3A_101 : i32
      %sign3A_103 = arith.extui %sign3A_102 : i1 to i32
      %sign3A_104 = arith.subi %sign3A_100, %sign3A_103 : i32
      %ne3A_105 = arith.cmpi ne, %sign3A_97, %sign3A_104 : i32
      %rem3A_106 = arith.remsi %add3A_88, %jit3A_89 : i32
      %ne3A_107 = arith.constant 0 : i32
      %ne3A_108 = arith.cmpi ne, %rem3A_106, %ne3A_107 : i32
      %and3A_109 = arith.andi %ne3A_105, %ne3A_108 : i1
      %sub3A_110 = arith.constant 1 : i32
      %sub3A_111 = arith.subi %div3A_90, %sub3A_110 : i32
      %select_n3A_112 = arith.select %and3A_109, %sub3A_111, %div3A_90 : i32
      %broadcast_in_dim3A_113 = vector.broadcast %select_n3A_112 : i32 to vector<16xi32>
      %jit3A_114 = arith.constant 32 : i32
      %eq3A_115 = arith.constant 0 : i32
      %eq3A_116 = arith.cmpi eq, %jit3A_114, %eq3A_115 : i32
      %jit3A_117 = arith.constant 1 : i32
      %select_n3A_118 = arith.select %eq3A_116, %jit3A_117, %jit3A_114 : i32
      %rem3A_119 = arith.remsi %add3A_88, %select_n3A_118 : i32
      %ne3A_120 = arith.constant 0 : i32
      %ne3A_121 = arith.cmpi ne, %rem3A_119, %ne3A_120 : i32
      %lt3A_122 = arith.constant 0 : i32
      %lt3A_123 = arith.cmpi slt, %rem3A_119, %lt3A_122 : i32
      %lt3A_124 = arith.constant 0 : i32
      %lt3A_125 = arith.cmpi slt, %select_n3A_118, %lt3A_124 : i32
      %ne3A_126 = arith.xori %lt3A_123, %lt3A_125 : i1
      %and3A_127 = arith.andi %ne3A_126, %ne3A_121 : i1
      %add3A_128 = arith.addi %rem3A_119, %select_n3A_118 : i32
      %select_n3A_129 = arith.select %and3A_127, %add3A_128, %rem3A_119 : i32
      %mul3A_130 = arith.constant 16 : i32
      %mul3A_131 = arith.muli %select_n3A_129, %mul3A_130 : i32
      %add3A_132 = vector.broadcast %mul3A_131 : i32 to vector<16xi32>
      %add3A_133 = arith.addi %add3A_132, %iota3A : vector<16xi32>
      tpu.vector_store_idx %arg13[%broadcast_in_dim3A_113, %add3A_133], %neg3A_8 : memref<16x512xf32, #tpu.memory_space<vmem>>[vector<16xi32>, vector<16xi32>], vector<16xf32>,
      %mul3A_134 = arith.constant 4 : i32
      %mul3A_135 = arith.muli %scan3A_45, %mul3A_134 : i32
      %add3A_136 = arith.constant 2 : i32
      %add3A_137 = arith.addi %mul3A_135, %add3A_136 : i32
      %jit3A_138 = arith.constant 32 : i32
      %div3A_139 = arith.divsi %add3A_137, %jit3A_138 : i32
      %sign3A_140 = arith.constant 0 : i32
      %sign3A_141 = arith.cmpi sgt, %add3A_137, %sign3A_140 : i32
      %sign3A_142 = arith.extui %sign3A_141 : i1 to i32
      %sign3A_143 = arith.constant 0 : i32
      %sign3A_144 = arith.cmpi slt, %add3A_137, %sign3A_143 : i32
      %sign3A_145 = arith.extui %sign3A_144 : i1 to i32
      %sign3A_146 = arith.subi %sign3A_142, %sign3A_145 : i32
      %sign3A_147 = arith.constant 0 : i32
      %sign3A_148 = arith.cmpi sgt, %jit3A_138, %sign3A_147 : i32
      %sign3A_149 = arith.extui %sign3A_148 : i1 to i32
      %sign3A_150 = arith.constant 0 : i32
      %sign3A_151 = arith.cmpi slt, %jit3A_138, %sign3A_150 : i32
      %sign3A_152 = arith.extui %sign3A_151 : i1 to i32
      %sign3A_153 = arith.subi %sign3A_149, %sign3A_152 : i32
      %ne3A_154 = arith.cmpi ne, %sign3A_146, %sign3A_153 : i32
      %rem3A_155 = arith.remsi %add3A_137, %jit3A_138 : i32
      %ne3A_156 = arith.constant 0 : i32
      %ne3A_157 = arith.cmpi ne, %rem3A_155, %ne3A_156 : i32
      %and3A_158 = arith.andi %ne3A_154, %ne3A_157 : i1
      %sub3A_159 = arith.constant 1 : i32
      %sub3A_160 = arith.subi %div3A_139, %sub3A_159 : i32
      %select_n3A_161 = arith.select %and3A_158, %sub3A_160, %div3A_139 : i32
      %broadcast_in_dim3A_162 = vector.broadcast %select_n3A_161 : i32 to vector<16xi32>
      %jit3A_163 = arith.constant 32 : i32
      %eq3A_164 = arith.constant 0 : i32
      %eq3A_165 = arith.cmpi eq, %jit3A_163, %eq3A_164 : i32
      %jit3A_166 = arith.constant 1 : i32
      %select_n3A_167 = arith.select %eq3A_165, %jit3A_166, %jit3A_163 : i32
      %rem3A_168 = arith.remsi %add3A_137, %select_n3A_167 : i32
      %ne3A_169 = arith.constant 0 : i32
      %ne3A_170 = arith.cmpi ne, %rem3A_168, %ne3A_169 : i32
      %lt3A_171 = arith.constant 0 : i32
      %lt3A_172 = arith.cmpi slt, %rem3A_168, %lt3A_171 : i32
      %lt3A_173 = arith.constant 0 : i32
      %lt3A_174 = arith.cmpi slt, %select_n3A_167, %lt3A_173 : i32
      %ne3A_175 = arith.xori %lt3A_172, %lt3A_174 : i1
      %and3A_176 = arith.andi %ne3A_175, %ne3A_170 : i1
      %add3A_177 = arith.addi %rem3A_168, %select_n3A_167 : i32
      %select_n3A_178 = arith.select %and3A_176, %add3A_177, %rem3A_168 : i32
      %mul3A_179 = arith.constant 16 : i32
      %mul3A_180 = arith.muli %select_n3A_178, %mul3A_179 : i32
      %add3A_181 = vector.broadcast %mul3A_180 : i32 to vector<16xi32>
      %add3A_182 = arith.addi %add3A_181, %iota3A : vector<16xi32>
      tpu.vector_store_idx %arg13[%broadcast_in_dim3A_162, %add3A_182], %neg3A_8 : memref<16x512xf32, #tpu.memory_space<vmem>>[vector<16xi32>, vector<16xi32>], vector<16xf32>,
      %mul3A_183 = arith.constant 4 : i32
      %mul3A_184 = arith.muli %scan3A_45, %mul3A_183 : i32
      %add3A_185 = arith.constant 3 : i32
      %add3A_186 = arith.addi %mul3A_184, %add3A_185 : i32
      %jit3A_187 = arith.constant 32 : i32
      %div3A_188 = arith.divsi %add3A_186, %jit3A_187 : i32
      %sign3A_189 = arith.constant 0 : i32
      %sign3A_190 = arith.cmpi sgt, %add3A_186, %sign3A_189 : i32
      %sign3A_191 = arith.extui %sign3A_190 : i1 to i32
      %sign3A_192 = arith.constant 0 : i32
      %sign3A_193 = arith.cmpi slt, %add3A_186, %sign3A_192 : i32
      %sign3A_194 = arith.extui %sign3A_193 : i1 to i32
      %sign3A_195 = arith.subi %sign3A_191, %sign3A_194 : i32
      %sign3A_196 = arith.constant 0 : i32
      %sign3A_197 = arith.cmpi sgt, %jit3A_187, %sign3A_196 : i32
      %sign3A_198 = arith.extui %sign3A_197 : i1 to i32
      %sign3A_199 = arith.constant 0 : i32
      %sign3A_200 = arith.cmpi slt, %jit3A_187, %sign3A_199 : i32
      %sign3A_201 = arith.extui %sign3A_200 : i1 to i32
      %sign3A_202 = arith.subi %sign3A_198, %sign3A_201 : i32
      %ne3A_203 = arith.cmpi ne, %sign3A_195, %sign3A_202 : i32
      %rem3A_204 = arith.remsi %add3A_186, %jit3A_187 : i32
      %ne3A_205 = arith.constant 0 : i32
      %ne3A_206 = arith.cmpi ne, %rem3A_204, %ne3A_205 : i32
      %and3A_207 = arith.andi %ne3A_203, %ne3A_206 : i1
      %sub3A_208 = arith.constant 1 : i32
      %sub3A_209 = arith.subi %div3A_188, %sub3A_208 : i32
      %select_n3A_210 = arith.select %and3A_207, %sub3A_209, %div3A_188 : i32
      %broadcast_in_dim3A_211 = vector.broadcast %select_n3A_210 : i32 to vector<16xi32>
      %jit3A_212 = arith.constant 32 : i32
      %eq3A_213 = arith.constant 0 : i32
      %eq3A_214 = arith.cmpi eq, %jit3A_212, %eq3A_213 : i32
      %jit3A_215 = arith.constant 1 : i32
      %select_n3A_216 = arith.select %eq3A_214, %jit3A_215, %jit3A_212 : i32
      %rem3A_217 = arith.remsi %add3A_186, %select_n3A_216 : i32
      %ne3A_218 = arith.constant 0 : i32
      %ne3A_219 = arith.cmpi ne, %rem3A_217, %ne3A_218 : i32
      %lt3A_220 = arith.constant 0 : i32
      %lt3A_221 = arith.cmpi slt, %rem3A_217, %lt3A_220 : i32
      %lt3A_222 = arith.constant 0 : i32
      %lt3A_223 = arith.cmpi slt, %select_n3A_216, %lt3A_222 : i32
      %ne3A_224 = arith.xori %lt3A_221, %lt3A_223 : i1
      %and3A_225 = arith.andi %ne3A_224, %ne3A_219 : i1
      %add3A_226 = arith.addi %rem3A_217, %select_n3A_216 : i32
      %select_n3A_227 = arith.select %and3A_225, %add3A_226, %rem3A_217 : i32
      %mul3A_228 = arith.constant 16 : i32
      %mul3A_229 = arith.muli %select_n3A_227, %mul3A_228 : i32
      %add3A_230 = vector.broadcast %mul3A_229 : i32 to vector<16xi32>
      %add3A_231 = arith.addi %add3A_230, %iota3A : vector<16xi32>
      tpu.vector_store_idx %arg13[%broadcast_in_dim3A_211, %add3A_231], %neg3A_8 : memref<16x512xf32, #tpu.memory_space<vmem>>[vector<16xi32>, vector<16xi32>], vector<16xf32>,
    }
    %scan3A_13 = arith.constant 128 : i32
    %scan3A_14 = arith.constant 0 : i32
    %scan3A_15 = arith.constant 0 : i32
    %scan3A_16 = arith.constant 32 : i32
    %scan3A_17 = arith.addi %scan3A_15, %scan3A_16 : i32
    %scan3A_18 = arith.constant 1 : i32
    scf.for %scan3A_45 = %scan3A_15 to %scan3A_17 step %scan3A_18  : i32 {
      %mul3A_46 = arith.constant 64 : i32
      %mul3A_47 = arith.muli %scan3A_45, %mul3A_46 : i32
      %add3A_48 = arith.constant 0 : i32
      %add3A_49 = arith.addi %mul3A_47, %add3A_48 : i32
      %add3A_50 = vector.broadcast %add3A_49 : i32 to vector<16xi32>
      %add3A_51 = arith.addi %add3A_50, %iota3A : vector<16xi32>
      %gather3A = tpu.vector_load_idx %arg14[%add3A_51] : memref<2048xi32, #tpu.memory_space<vmem>>[vector<16xi32>], vector<16xi32>,
      %add3A_52 = vector.broadcast %add3A_49 : i32 to vector<16xi32>
      %add3A_53 = arith.addi %add3A_52, %iota3A : vector<16xi32>
      %gather3A_54 = tpu.vector_load_idx %arg15[%add3A_53] : memref<2048xi32, #tpu.memory_space<vmem>>[vector<16xi32>], vector<16xi32>,
      %sub3A = vector.broadcast %mul3A_2 : i32 to vector<16xi32>
      %sub3A_55 = arith.subi %gather3A, %sub3A : vector<16xi32>
      %ge3A = arith.constant 0 : i32
      %ge3A_56 = vector.broadcast %ge3A : i32 to vector<16xi32>
      %ge3A_57 = arith.cmpi sge, %sub3A_55, %ge3A_56 : vector<16xi32>
      %lt3A = arith.constant 16 : i32
      %lt3A_58 = vector.broadcast %lt3A : i32 to vector<16xi32>
      %lt3A_59 = arith.cmpi slt, %sub3A_55, %lt3A_58 : vector<16xi32>
      %and3A = arith.andi %ge3A_57, %lt3A_59 : vector<16xi1>
      %jit3A = arith.constant 0 : i32
      %jit3A_60 = arith.constant 15 : i32
      %max3A = vector.broadcast %jit3A : i32 to vector<16xi32>
      %max3A_61 = arith.maxsi %max3A, %sub3A_55 : vector<16xi32>
      %min3A = vector.broadcast %jit3A_60 : i32 to vector<16xi32>
      %min3A_62 = arith.minsi %min3A, %max3A_61 : vector<16xi32>
      tpu.vector_store_idx %arg13[%min3A_62, %gather3A_54], %broadcast_in_dim3A_3 masked %and3A : memref<16x512xf32, #tpu.memory_space<vmem>>[vector<16xi32>, vector<16xi32>], vector<16xf32>, vector<16xi1>
      %mul3A_63 = arith.constant 64 : i32
      %mul3A_64 = arith.muli %scan3A_45, %mul3A_63 : i32
      %add3A_65 = arith.constant 16 : i32
      %add3A_66 = arith.addi %mul3A_64, %add3A_65 : i32
      %add3A_67 = vector.broadcast %add3A_66 : i32 to vector<16xi32>
      %add3A_68 = arith.addi %add3A_67, %iota3A : vector<16xi32>
      %gather3A_69 = tpu.vector_load_idx %arg14[%add3A_68] : memref<2048xi32, #tpu.memory_space<vmem>>[vector<16xi32>], vector<16xi32>,
      %add3A_70 = vector.broadcast %add3A_66 : i32 to vector<16xi32>
      %add3A_71 = arith.addi %add3A_70, %iota3A : vector<16xi32>
      %gather3A_72 = tpu.vector_load_idx %arg15[%add3A_71] : memref<2048xi32, #tpu.memory_space<vmem>>[vector<16xi32>], vector<16xi32>,
      %sub3A_73 = vector.broadcast %mul3A_2 : i32 to vector<16xi32>
      %sub3A_74 = arith.subi %gather3A_69, %sub3A_73 : vector<16xi32>
      %ge3A_75 = arith.constant 0 : i32
      %ge3A_76 = vector.broadcast %ge3A_75 : i32 to vector<16xi32>
      %ge3A_77 = arith.cmpi sge, %sub3A_74, %ge3A_76 : vector<16xi32>
      %lt3A_78 = arith.constant 16 : i32
      %lt3A_79 = vector.broadcast %lt3A_78 : i32 to vector<16xi32>
      %lt3A_80 = arith.cmpi slt, %sub3A_74, %lt3A_79 : vector<16xi32>
      %and3A_81 = arith.andi %ge3A_77, %lt3A_80 : vector<16xi1>
      %jit3A_82 = arith.constant 0 : i32
      %jit3A_83 = arith.constant 15 : i32
      %max3A_84 = vector.broadcast %jit3A_82 : i32 to vector<16xi32>
      %max3A_85 = arith.maxsi %max3A_84, %sub3A_74 : vector<16xi32>
      %min3A_86 = vector.broadcast %jit3A_83 : i32 to vector<16xi32>
      %min3A_87 = arith.minsi %min3A_86, %max3A_85 : vector<16xi32>
      tpu.vector_store_idx %arg13[%min3A_87, %gather3A_72], %broadcast_in_dim3A_3 masked %and3A_81 : memref<16x512xf32, #tpu.memory_space<vmem>>[vector<16xi32>, vector<16xi32>], vector<16xf32>, vector<16xi1>
      %mul3A_88 = arith.constant 64 : i32
      %mul3A_89 = arith.muli %scan3A_45, %mul3A_88 : i32
      %add3A_90 = arith.constant 32 : i32
      %add3A_91 = arith.addi %mul3A_89, %add3A_90 : i32
      %add3A_92 = vector.broadcast %add3A_91 : i32 to vector<16xi32>
      %add3A_93 = arith.addi %add3A_92, %iota3A : vector<16xi32>
      %gather3A_94 = tpu.vector_load_idx %arg14[%add3A_93] : memref<2048xi32, #tpu.memory_space<vmem>>[vector<16xi32>], vector<16xi32>,
      %add3A_95 = vector.broadcast %add3A_91 : i32 to vector<16xi32>
      %add3A_96 = arith.addi %add3A_95, %iota3A : vector<16xi32>
      %gather3A_97 = tpu.vector_load_idx %arg15[%add3A_96] : memref<2048xi32, #tpu.memory_space<vmem>>[vector<16xi32>], vector<16xi32>,
      %sub3A_98 = vector.broadcast %mul3A_2 : i32 to vector<16xi32>
      %sub3A_99 = arith.subi %gather3A_94, %sub3A_98 : vector<16xi32>
      %ge3A_100 = arith.constant 0 : i32
      %ge3A_101 = vector.broadcast %ge3A_100 : i32 to vector<16xi32>
      %ge3A_102 = arith.cmpi sge, %sub3A_99, %ge3A_101 : vector<16xi32>
      %lt3A_103 = arith.constant 16 : i32
      %lt3A_104 = vector.broadcast %lt3A_103 : i32 to vector<16xi32>
      %lt3A_105 = arith.cmpi slt, %sub3A_99, %lt3A_104 : vector<16xi32>
      %and3A_106 = arith.andi %ge3A_102, %lt3A_105 : vector<16xi1>
      %jit3A_107 = arith.constant 0 : i32
      %jit3A_108 = arith.constant 15 : i32
      %max3A_109 = vector.broadcast %jit3A_107 : i32 to vector<16xi32>
      %max3A_110 = arith.maxsi %max3A_109, %sub3A_99 : vector<16xi32>
      %min3A_111 = vector.broadcast %jit3A_108 : i32 to vector<16xi32>
      %min3A_112 = arith.minsi %min3A_111, %max3A_110 : vector<16xi32>
      tpu.vector_store_idx %arg13[%min3A_112, %gather3A_97], %broadcast_in_dim3A_3 masked %and3A_106 : memref<16x512xf32, #tpu.memory_space<vmem>>[vector<16xi32>, vector<16xi32>], vector<16xf32>, vector<16xi1>
      %mul3A_113 = arith.constant 64 : i32
      %mul3A_114 = arith.muli %scan3A_45, %mul3A_113 : i32
      %add3A_115 = arith.constant 48 : i32
      %add3A_116 = arith.addi %mul3A_114, %add3A_115 : i32
      %add3A_117 = vector.broadcast %add3A_116 : i32 to vector<16xi32>
      %add3A_118 = arith.addi %add3A_117, %iota3A : vector<16xi32>
      %gather3A_119 = tpu.vector_load_idx %arg14[%add3A_118] : memref<2048xi32, #tpu.memory_space<vmem>>[vector<16xi32>], vector<16xi32>,
      %add3A_120 = vector.broadcast %add3A_116 : i32 to vector<16xi32>
      %add3A_121 = arith.addi %add3A_120, %iota3A : vector<16xi32>
      %gather3A_122 = tpu.vector_load_idx %arg15[%add3A_121] : memref<2048xi32, #tpu.memory_space<vmem>>[vector<16xi32>], vector<16xi32>,
      %sub3A_123 = vector.broadcast %mul3A_2 : i32 to vector<16xi32>
      %sub3A_124 = arith.subi %gather3A_119, %sub3A_123 : vector<16xi32>
      %ge3A_125 = arith.constant 0 : i32
      %ge3A_126 = vector.broadcast %ge3A_125 : i32 to vector<16xi32>
      %ge3A_127 = arith.cmpi sge, %sub3A_124, %ge3A_126 : vector<16xi32>
      %lt3A_128 = arith.constant 16 : i32
      %lt3A_129 = vector.broadcast %lt3A_128 : i32 to vector<16xi32>
      %lt3A_130 = arith.cmpi slt, %sub3A_124, %lt3A_129 : vector<16xi32>
      %and3A_131 = arith.andi %ge3A_127, %lt3A_130 : vector<16xi1>
      %jit3A_132 = arith.constant 0 : i32
      %jit3A_133 = arith.constant 15 : i32
      %max3A_134 = vector.broadcast %jit3A_132 : i32 to vector<16xi32>
      %max3A_135 = arith.maxsi %max3A_134, %sub3A_124 : vector<16xi32>
      %min3A_136 = vector.broadcast %jit3A_133 : i32 to vector<16xi32>
      %min3A_137 = arith.minsi %min3A_136, %max3A_135 : vector<16xi32>
      tpu.vector_store_idx %arg13[%min3A_137, %gather3A_122], %broadcast_in_dim3A_3 masked %and3A_131 : memref<16x512xf32, #tpu.memory_space<vmem>>[vector<16xi32>, vector<16xi32>], vector<16xf32>, vector<16xi1>
    }
    %scan3A_19 = arith.constant 32 : i32
    "tpu.region"() ({
      %run_scoped3A_45 = tpu.sem_alloc : memref<!tpu.dma_semaphore, #tpu.memory_space<semaphore_mem>>
      %dma_start3A_46 = arith.constant 0 : i32
      %dma_start3A_47 = tpu.memref_slice %arg6[%mul3A_2, %dma_start3A_46] : memref<512x512xf32, #tpu.memory_space<hbm>> -> memref<16x512xf32, #tpu.memory_space<hbm>>
      %dma_start3A_48 = arith.constant 0 : i32
      %dma_start3A_49 = tpu.memref_slice %arg6[%mul3A_2, %dma_start3A_48] : memref<512x512xf32, #tpu.memory_space<hbm>> -> memref<16x512xf32, #tpu.memory_space<hbm>>
      tpu.enqueue_dma source(%arg13 : memref<16x512xf32, #tpu.memory_space<vmem>>) target(%dma_start3A_49 : memref<16x512xf32, #tpu.memory_space<hbm>>) target_semaphore(%run_scoped3A_45 : memref<!tpu.dma_semaphore, #tpu.memory_space<semaphore_mem>>)
      %dma_wait3A_50 = arith.constant 0 : i32
      %dma_wait3A_51 = tpu.memref_slice %arg6[%mul3A_2, %dma_wait3A_50] : memref<512x512xf32, #tpu.memory_space<hbm>> -> memref<16x512xf32, #tpu.memory_space<hbm>>
      %dma_wait3A_52 = arith.constant 0 : i32
      %dma_wait3A_53 = tpu.memref_slice %arg6[%mul3A_2, %dma_wait3A_52] : memref<512x512xf32, #tpu.memory_space<hbm>> -> memref<16x512xf32, #tpu.memory_space<hbm>>
      tpu.wait_dma2 semaphore(%run_scoped3A_45 : memref<!tpu.dma_semaphore, #tpu.memory_space<semaphore_mem>>) src(%arg13 : memref<16x512xf32, #tpu.memory_space<vmem>>) dst(%dma_wait3A_53 : memref<16x512xf32, #tpu.memory_space<hbm>>)
      tpu.yield
    }) : () -> ()
    %run_scoped3A_20 = arith.constant 2 : i32
    "tpu.region"() ({
      %run_scoped3A_45 = tpu.sem_alloc : memref<!tpu.dma_semaphore, #tpu.memory_space<semaphore_mem>>
      %dma_start3A_46 = arith.constant 0 : i32
      %dma_start3A_47 = tpu.memref_slice %arg5[%run_scoped3A_20, %dma_start3A_46] : memref<4x2048xi32, #tpu.memory_space<hbm>> -> memref<1x2048xi32, #tpu.memory_space<hbm>>
      %dma_start3A_48 = tpu.memref_squeeze %dma_start3A_47 : memref<1x2048xi32, #tpu.memory_space<hbm>> -> memref<2048xi32, #tpu.memory_space<hbm>>
      %dma_start3A_49 = arith.constant 0 : i32
      %dma_start3A_50 = tpu.memref_slice %arg5[%run_scoped3A_20, %dma_start3A_49] : memref<4x2048xi32, #tpu.memory_space<hbm>> -> memref<1x2048xi32, #tpu.memory_space<hbm>>
      %dma_start3A_51 = tpu.memref_squeeze %dma_start3A_50 : memref<1x2048xi32, #tpu.memory_space<hbm>> -> memref<2048xi32, #tpu.memory_space<hbm>>
      tpu.enqueue_dma source(%dma_start3A_51 : memref<2048xi32, #tpu.memory_space<hbm>>) target(%arg14 : memref<2048xi32, #tpu.memory_space<vmem>>) target_semaphore(%run_scoped3A_45 : memref<!tpu.dma_semaphore, #tpu.memory_space<semaphore_mem>>)
      %dma_wait3A_52 = arith.constant 0 : i32
      %dma_wait3A_53 = tpu.memref_slice %arg5[%run_scoped3A_20, %dma_wait3A_52] : memref<4x2048xi32, #tpu.memory_space<hbm>> -> memref<1x2048xi32, #tpu.memory_space<hbm>>
      %dma_wait3A_54 = tpu.memref_squeeze %dma_wait3A_53 : memref<1x2048xi32, #tpu.memory_space<hbm>> -> memref<2048xi32, #tpu.memory_space<hbm>>
      %dma_wait3A_55 = arith.constant 0 : i32
      %dma_wait3A_56 = tpu.memref_slice %arg5[%run_scoped3A_20, %dma_wait3A_55] : memref<4x2048xi32, #tpu.memory_space<hbm>> -> memref<1x2048xi32, #tpu.memory_space<hbm>>
      %dma_wait3A_57 = tpu.memref_squeeze %dma_wait3A_56 : memref<1x2048xi32, #tpu.memory_space<hbm>> -> memref<2048xi32, #tpu.memory_space<hbm>>
      tpu.wait_dma2 semaphore(%run_scoped3A_45 : memref<!tpu.dma_semaphore, #tpu.memory_space<semaphore_mem>>) src(%dma_wait3A_57 : memref<2048xi32, #tpu.memory_space<hbm>>) dst(%arg14 : memref<2048xi32, #tpu.memory_space<vmem>>)
      tpu.yield
    }) : () -> ()
    %run_scoped3A_21 = arith.constant 3 : i32
    "tpu.region"() ({
      %run_scoped3A_45 = tpu.sem_alloc : memref<!tpu.dma_semaphore, #tpu.memory_space<semaphore_mem>>
      %dma_start3A_46 = arith.constant 0 : i32
      %dma_start3A_47 = tpu.memref_slice %arg5[%run_scoped3A_21, %dma_start3A_46] : memref<4x2048xi32, #tpu.memory_space<hbm>> -> memref<1x2048xi32, #tpu.memory_space<hbm>>
      %dma_start3A_48 = tpu.memref_squeeze %dma_start3A_47 : memref<1x2048xi32, #tpu.memory_space<hbm>> -> memref<2048xi32, #tpu.memory_space<hbm>>
      %dma_start3A_49 = arith.constant 0 : i32
      %dma_start3A_50 = tpu.memref_slice %arg5[%run_scoped3A_21, %dma_start3A_49] : memref<4x2048xi32, #tpu.memory_space<hbm>> -> memref<1x2048xi32, #tpu.memory_space<hbm>>
      %dma_start3A_51 = tpu.memref_squeeze %dma_start3A_50 : memref<1x2048xi32, #tpu.memory_space<hbm>> -> memref<2048xi32, #tpu.memory_space<hbm>>
      tpu.enqueue_dma source(%dma_start3A_51 : memref<2048xi32, #tpu.memory_space<hbm>>) target(%arg15 : memref<2048xi32, #tpu.memory_space<vmem>>) target_semaphore(%run_scoped3A_45 : memref<!tpu.dma_semaphore, #tpu.memory_space<semaphore_mem>>)
      %dma_wait3A_52 = arith.constant 0 : i32
      %dma_wait3A_53 = tpu.memref_slice %arg5[%run_scoped3A_21, %dma_wait3A_52] : memref<4x2048xi32, #tpu.memory_space<hbm>> -> memref<1x2048xi32, #tpu.memory_space<hbm>>
      %dma_wait3A_54 = tpu.memref_squeeze %dma_wait3A_53 : memref<1x2048xi32, #tpu.memory_space<hbm>> -> memref<2048xi32, #tpu.memory_space<hbm>>
      %dma_wait3A_55 = arith.constant 0 : i32
      %dma_wait3A_56 = tpu.memref_slice %arg5[%run_scoped3A_21, %dma_wait3A_55] : memref<4x2048xi32, #tpu.memory_space<hbm>> -> memref<1x2048xi32, #tpu.memory_space<hbm>>
      %dma_wait3A_57 = tpu.memref_squeeze %dma_wait3A_56 : memref<1x2048xi32, #tpu.memory_space<hbm>> -> memref<2048xi32, #tpu.memory_space<hbm>>
      tpu.wait_dma2 semaphore(%run_scoped3A_45 : memref<!tpu.dma_semaphore, #tpu.memory_space<semaphore_mem>>) src(%dma_wait3A_57 : memref<2048xi32, #tpu.memory_space<hbm>>) dst(%arg15 : memref<2048xi32, #tpu.memory_space<vmem>>)
      tpu.yield
    }) : () -> ()
    %neg3A_22 = arith.constant 0.000000e+00 : f32
    %neg3A_23 = vector.broadcast %neg3A_22 : f32 to vector<16xf32>
    %neg3A_24 = arith.subf %neg3A_23, %broadcast_in_dim3A_3 : vector<16xf32>
    %scan3A_25 = arith.constant 0 : i32
    %scan3A_26 = arith.constant 0 : i32
    %scan3A_27 = arith.constant 128 : i32
    %scan3A_28 = arith.addi %scan3A_26, %scan3A_27 : i32
    %scan3A_29 = arith.constant 1 : i32
    scf.for %scan3A_45 = %scan3A_26 to %scan3A_28 step %scan3A_29  : i32 {
      %mul3A_46 = arith.constant 4 : i32
      %mul3A_47 = arith.muli %scan3A_45, %mul3A_46 : i32
      %add3A_48 = arith.constant 0 : i32
      %add3A_49 = arith.addi %mul3A_47, %add3A_48 : i32
      %jit3A = arith.constant 32 : i32
      %div3A = arith.divsi %add3A_49, %jit3A : i32
      %sign3A = arith.constant 0 : i32
      %sign3A_50 = arith.cmpi sgt, %add3A_49, %sign3A : i32
      %sign3A_51 = arith.extui %sign3A_50 : i1 to i32
      %sign3A_52 = arith.constant 0 : i32
      %sign3A_53 = arith.cmpi slt, %add3A_49, %sign3A_52 : i32
      %sign3A_54 = arith.extui %sign3A_53 : i1 to i32
      %sign3A_55 = arith.subi %sign3A_51, %sign3A_54 : i32
      %sign3A_56 = arith.constant 0 : i32
      %sign3A_57 = arith.cmpi sgt, %jit3A, %sign3A_56 : i32
      %sign3A_58 = arith.extui %sign3A_57 : i1 to i32
      %sign3A_59 = arith.constant 0 : i32
      %sign3A_60 = arith.cmpi slt, %jit3A, %sign3A_59 : i32
      %sign3A_61 = arith.extui %sign3A_60 : i1 to i32
      %sign3A_62 = arith.subi %sign3A_58, %sign3A_61 : i32
      %ne3A = arith.cmpi ne, %sign3A_55, %sign3A_62 : i32
      %rem3A = arith.remsi %add3A_49, %jit3A : i32
      %ne3A_63 = arith.constant 0 : i32
      %ne3A_64 = arith.cmpi ne, %rem3A, %ne3A_63 : i32
      %and3A = arith.andi %ne3A, %ne3A_64 : i1
      %sub3A = arith.constant 1 : i32
      %sub3A_65 = arith.subi %div3A, %sub3A : i32
      %select_n3A = arith.select %and3A, %sub3A_65, %div3A : i32
      %broadcast_in_dim3A_66 = vector.broadcast %select_n3A : i32 to vector<16xi32>
      %jit3A_67 = arith.constant 32 : i32
      %eq3A = arith.constant 0 : i32
      %eq3A_68 = arith.cmpi eq, %jit3A_67, %eq3A : i32
      %jit3A_69 = arith.constant 1 : i32
      %select_n3A_70 = arith.select %eq3A_68, %jit3A_69, %jit3A_67 : i32
      %rem3A_71 = arith.remsi %add3A_49, %select_n3A_70 : i32
      %ne3A_72 = arith.constant 0 : i32
      %ne3A_73 = arith.cmpi ne, %rem3A_71, %ne3A_72 : i32
      %lt3A = arith.constant 0 : i32
      %lt3A_74 = arith.cmpi slt, %rem3A_71, %lt3A : i32
      %lt3A_75 = arith.constant 0 : i32
      %lt3A_76 = arith.cmpi slt, %select_n3A_70, %lt3A_75 : i32
      %ne3A_77 = arith.xori %lt3A_74, %lt3A_76 : i1
      %and3A_78 = arith.andi %ne3A_77, %ne3A_73 : i1
      %add3A_79 = arith.addi %rem3A_71, %select_n3A_70 : i32
      %select_n3A_80 = arith.select %and3A_78, %add3A_79, %rem3A_71 : i32
      %mul3A_81 = arith.constant 16 : i32
      %mul3A_82 = arith.muli %select_n3A_80, %mul3A_81 : i32
      %add3A_83 = vector.broadcast %mul3A_82 : i32 to vector<16xi32>
      %add3A_84 = arith.addi %add3A_83, %iota3A : vector<16xi32>
      tpu.vector_store_idx %arg13[%broadcast_in_dim3A_66, %add3A_84], %neg3A_24 : memref<16x512xf32, #tpu.memory_space<vmem>>[vector<16xi32>, vector<16xi32>], vector<16xf32>,
      %mul3A_85 = arith.constant 4 : i32
      %mul3A_86 = arith.muli %scan3A_45, %mul3A_85 : i32
      %add3A_87 = arith.constant 1 : i32
      %add3A_88 = arith.addi %mul3A_86, %add3A_87 : i32
      %jit3A_89 = arith.constant 32 : i32
      %div3A_90 = arith.divsi %add3A_88, %jit3A_89 : i32
      %sign3A_91 = arith.constant 0 : i32
      %sign3A_92 = arith.cmpi sgt, %add3A_88, %sign3A_91 : i32
      %sign3A_93 = arith.extui %sign3A_92 : i1 to i32
      %sign3A_94 = arith.constant 0 : i32
      %sign3A_95 = arith.cmpi slt, %add3A_88, %sign3A_94 : i32
      %sign3A_96 = arith.extui %sign3A_95 : i1 to i32
      %sign3A_97 = arith.subi %sign3A_93, %sign3A_96 : i32
      %sign3A_98 = arith.constant 0 : i32
      %sign3A_99 = arith.cmpi sgt, %jit3A_89, %sign3A_98 : i32
      %sign3A_100 = arith.extui %sign3A_99 : i1 to i32
      %sign3A_101 = arith.constant 0 : i32
      %sign3A_102 = arith.cmpi slt, %jit3A_89, %sign3A_101 : i32
      %sign3A_103 = arith.extui %sign3A_102 : i1 to i32
      %sign3A_104 = arith.subi %sign3A_100, %sign3A_103 : i32
      %ne3A_105 = arith.cmpi ne, %sign3A_97, %sign3A_104 : i32
      %rem3A_106 = arith.remsi %add3A_88, %jit3A_89 : i32
      %ne3A_107 = arith.constant 0 : i32
      %ne3A_108 = arith.cmpi ne, %rem3A_106, %ne3A_107 : i32
      %and3A_109 = arith.andi %ne3A_105, %ne3A_108 : i1
      %sub3A_110 = arith.constant 1 : i32
      %sub3A_111 = arith.subi %div3A_90, %sub3A_110 : i32
      %select_n3A_112 = arith.select %and3A_109, %sub3A_111, %div3A_90 : i32
      %broadcast_in_dim3A_113 = vector.broadcast %select_n3A_112 : i32 to vector<16xi32>
      %jit3A_114 = arith.constant 32 : i32
      %eq3A_115 = arith.constant 0 : i32
      %eq3A_116 = arith.cmpi eq, %jit3A_114, %eq3A_115 : i32
      %jit3A_117 = arith.constant 1 : i32
      %select_n3A_118 = arith.select %eq3A_116, %jit3A_117, %jit3A_114 : i32
      %rem3A_119 = arith.remsi %add3A_88, %select_n3A_118 : i32
      %ne3A_120 = arith.constant 0 : i32
      %ne3A_121 = arith.cmpi ne, %rem3A_119, %ne3A_120 : i32
      %lt3A_122 = arith.constant 0 : i32
      %lt3A_123 = arith.cmpi slt, %rem3A_119, %lt3A_122 : i32
      %lt3A_124 = arith.constant 0 : i32
      %lt3A_125 = arith.cmpi slt, %select_n3A_118, %lt3A_124 : i32
      %ne3A_126 = arith.xori %lt3A_123, %lt3A_125 : i1
      %and3A_127 = arith.andi %ne3A_126, %ne3A_121 : i1
      %add3A_128 = arith.addi %rem3A_119, %select_n3A_118 : i32
      %select_n3A_129 = arith.select %and3A_127, %add3A_128, %rem3A_119 : i32
      %mul3A_130 = arith.constant 16 : i32
      %mul3A_131 = arith.muli %select_n3A_129, %mul3A_130 : i32
      %add3A_132 = vector.broadcast %mul3A_131 : i32 to vector<16xi32>
      %add3A_133 = arith.addi %add3A_132, %iota3A : vector<16xi32>
      tpu.vector_store_idx %arg13[%broadcast_in_dim3A_113, %add3A_133], %neg3A_24 : memref<16x512xf32, #tpu.memory_space<vmem>>[vector<16xi32>, vector<16xi32>], vector<16xf32>,
      %mul3A_134 = arith.constant 4 : i32
      %mul3A_135 = arith.muli %scan3A_45, %mul3A_134 : i32
      %add3A_136 = arith.constant 2 : i32
      %add3A_137 = arith.addi %mul3A_135, %add3A_136 : i32
      %jit3A_138 = arith.constant 32 : i32
      %div3A_139 = arith.divsi %add3A_137, %jit3A_138 : i32
      %sign3A_140 = arith.constant 0 : i32
      %sign3A_141 = arith.cmpi sgt, %add3A_137, %sign3A_140 : i32
      %sign3A_142 = arith.extui %sign3A_141 : i1 to i32
      %sign3A_143 = arith.constant 0 : i32
      %sign3A_144 = arith.cmpi slt, %add3A_137, %sign3A_143 : i32
      %sign3A_145 = arith.extui %sign3A_144 : i1 to i32
      %sign3A_146 = arith.subi %sign3A_142, %sign3A_145 : i32
      %sign3A_147 = arith.constant 0 : i32
      %sign3A_148 = arith.cmpi sgt, %jit3A_138, %sign3A_147 : i32
      %sign3A_149 = arith.extui %sign3A_148 : i1 to i32
      %sign3A_150 = arith.constant 0 : i32
      %sign3A_151 = arith.cmpi slt, %jit3A_138, %sign3A_150 : i32
      %sign3A_152 = arith.extui %sign3A_151 : i1 to i32
      %sign3A_153 = arith.subi %sign3A_149, %sign3A_152 : i32
      %ne3A_154 = arith.cmpi ne, %sign3A_146, %sign3A_153 : i32
      %rem3A_155 = arith.remsi %add3A_137, %jit3A_138 : i32
      %ne3A_156 = arith.constant 0 : i32
      %ne3A_157 = arith.cmpi ne, %rem3A_155, %ne3A_156 : i32
      %and3A_158 = arith.andi %ne3A_154, %ne3A_157 : i1
      %sub3A_159 = arith.constant 1 : i32
      %sub3A_160 = arith.subi %div3A_139, %sub3A_159 : i32
      %select_n3A_161 = arith.select %and3A_158, %sub3A_160, %div3A_139 : i32
      %broadcast_in_dim3A_162 = vector.broadcast %select_n3A_161 : i32 to vector<16xi32>
      %jit3A_163 = arith.constant 32 : i32
      %eq3A_164 = arith.constant 0 : i32
      %eq3A_165 = arith.cmpi eq, %jit3A_163, %eq3A_164 : i32
      %jit3A_166 = arith.constant 1 : i32
      %select_n3A_167 = arith.select %eq3A_165, %jit3A_166, %jit3A_163 : i32
      %rem3A_168 = arith.remsi %add3A_137, %select_n3A_167 : i32
      %ne3A_169 = arith.constant 0 : i32
      %ne3A_170 = arith.cmpi ne, %rem3A_168, %ne3A_169 : i32
      %lt3A_171 = arith.constant 0 : i32
      %lt3A_172 = arith.cmpi slt, %rem3A_168, %lt3A_171 : i32
      %lt3A_173 = arith.constant 0 : i32
      %lt3A_174 = arith.cmpi slt, %select_n3A_167, %lt3A_173 : i32
      %ne3A_175 = arith.xori %lt3A_172, %lt3A_174 : i1
      %and3A_176 = arith.andi %ne3A_175, %ne3A_170 : i1
      %add3A_177 = arith.addi %rem3A_168, %select_n3A_167 : i32
      %select_n3A_178 = arith.select %and3A_176, %add3A_177, %rem3A_168 : i32
      %mul3A_179 = arith.constant 16 : i32
      %mul3A_180 = arith.muli %select_n3A_178, %mul3A_179 : i32
      %add3A_181 = vector.broadcast %mul3A_180 : i32 to vector<16xi32>
      %add3A_182 = arith.addi %add3A_181, %iota3A : vector<16xi32>
      tpu.vector_store_idx %arg13[%broadcast_in_dim3A_162, %add3A_182], %neg3A_24 : memref<16x512xf32, #tpu.memory_space<vmem>>[vector<16xi32>, vector<16xi32>], vector<16xf32>,
      %mul3A_183 = arith.constant 4 : i32
      %mul3A_184 = arith.muli %scan3A_45, %mul3A_183 : i32
      %add3A_185 = arith.constant 3 : i32
      %add3A_186 = arith.addi %mul3A_184, %add3A_185 : i32
      %jit3A_187 = arith.constant 32 : i32
      %div3A_188 = arith.divsi %add3A_186, %jit3A_187 : i32
      %sign3A_189 = arith.constant 0 : i32
      %sign3A_190 = arith.cmpi sgt, %add3A_186, %sign3A_189 : i32
      %sign3A_191 = arith.extui %sign3A_190 : i1 to i32
      %sign3A_192 = arith.constant 0 : i32
      %sign3A_193 = arith.cmpi slt, %add3A_186, %sign3A_192 : i32
      %sign3A_194 = arith.extui %sign3A_193 : i1 to i32
      %sign3A_195 = arith.subi %sign3A_191, %sign3A_194 : i32
      %sign3A_196 = arith.constant 0 : i32
      %sign3A_197 = arith.cmpi sgt, %jit3A_187, %sign3A_196 : i32
      %sign3A_198 = arith.extui %sign3A_197 : i1 to i32
      %sign3A_199 = arith.constant 0 : i32
      %sign3A_200 = arith.cmpi slt, %jit3A_187, %sign3A_199 : i32
      %sign3A_201 = arith.extui %sign3A_200 : i1 to i32
      %sign3A_202 = arith.subi %sign3A_198, %sign3A_201 : i32
      %ne3A_203 = arith.cmpi ne, %sign3A_195, %sign3A_202 : i32
      %rem3A_204 = arith.remsi %add3A_186, %jit3A_187 : i32
      %ne3A_205 = arith.constant 0 : i32
      %ne3A_206 = arith.cmpi ne, %rem3A_204, %ne3A_205 : i32
      %and3A_207 = arith.andi %ne3A_203, %ne3A_206 : i1
      %sub3A_208 = arith.constant 1 : i32
      %sub3A_209 = arith.subi %div3A_188, %sub3A_208 : i32
      %select_n3A_210 = arith.select %and3A_207, %sub3A_209, %div3A_188 : i32
      %broadcast_in_dim3A_211 = vector.broadcast %select_n3A_210 : i32 to vector<16xi32>
      %jit3A_212 = arith.constant 32 : i32
      %eq3A_213 = arith.constant 0 : i32
      %eq3A_214 = arith.cmpi eq, %jit3A_212, %eq3A_213 : i32
      %jit3A_215 = arith.constant 1 : i32
      %select_n3A_216 = arith.select %eq3A_214, %jit3A_215, %jit3A_212 : i32
      %rem3A_217 = arith.remsi %add3A_186, %select_n3A_216 : i32
      %ne3A_218 = arith.constant 0 : i32
      %ne3A_219 = arith.cmpi ne, %rem3A_217, %ne3A_218 : i32
      %lt3A_220 = arith.constant 0 : i32
      %lt3A_221 = arith.cmpi slt, %rem3A_217, %lt3A_220 : i32
      %lt3A_222 = arith.constant 0 : i32
      %lt3A_223 = arith.cmpi slt, %select_n3A_216, %lt3A_222 : i32
      %ne3A_224 = arith.xori %lt3A_221, %lt3A_223 : i1
      %and3A_225 = arith.andi %ne3A_224, %ne3A_219 : i1
      %add3A_226 = arith.addi %rem3A_217, %select_n3A_216 : i32
      %select_n3A_227 = arith.select %and3A_225, %add3A_226, %rem3A_217 : i32
      %mul3A_228 = arith.constant 16 : i32
      %mul3A_229 = arith.muli %select_n3A_227, %mul3A_228 : i32
      %add3A_230 = vector.broadcast %mul3A_229 : i32 to vector<16xi32>
      %add3A_231 = arith.addi %add3A_230, %iota3A : vector<16xi32>
      tpu.vector_store_idx %arg13[%broadcast_in_dim3A_211, %add3A_231], %neg3A_24 : memref<16x512xf32, #tpu.memory_space<vmem>>[vector<16xi32>, vector<16xi32>], vector<16xf32>,
    }
    %scan3A_30 = arith.constant 128 : i32
    %scan3A_31 = arith.constant 0 : i32
    %scan3A_32 = arith.constant 0 : i32
    %scan3A_33 = arith.constant 32 : i32
    %scan3A_34 = arith.addi %scan3A_32, %scan3A_33 : i32
    %scan3A_35 = arith.constant 1 : i32
    scf.for %scan3A_45 = %scan3A_32 to %scan3A_34 step %scan3A_35  : i32 {
      %mul3A_46 = arith.constant 64 : i32
      %mul3A_47 = arith.muli %scan3A_45, %mul3A_46 : i32
      %add3A_48 = arith.constant 0 : i32
      %add3A_49 = arith.addi %mul3A_47, %add3A_48 : i32
      %add3A_50 = vector.broadcast %add3A_49 : i32 to vector<16xi32>
      %add3A_51 = arith.addi %add3A_50, %iota3A : vector<16xi32>
      %gather3A = tpu.vector_load_idx %arg14[%add3A_51] : memref<2048xi32, #tpu.memory_space<vmem>>[vector<16xi32>], vector<16xi32>,
      %add3A_52 = vector.broadcast %add3A_49 : i32 to vector<16xi32>
      %add3A_53 = arith.addi %add3A_52, %iota3A : vector<16xi32>
      %gather3A_54 = tpu.vector_load_idx %arg15[%add3A_53] : memref<2048xi32, #tpu.memory_space<vmem>>[vector<16xi32>], vector<16xi32>,
      %sub3A = vector.broadcast %mul3A_2 : i32 to vector<16xi32>
      %sub3A_55 = arith.subi %gather3A, %sub3A : vector<16xi32>
      %ge3A = arith.constant 0 : i32
      %ge3A_56 = vector.broadcast %ge3A : i32 to vector<16xi32>
      %ge3A_57 = arith.cmpi sge, %sub3A_55, %ge3A_56 : vector<16xi32>
      %lt3A = arith.constant 16 : i32
      %lt3A_58 = vector.broadcast %lt3A : i32 to vector<16xi32>
      %lt3A_59 = arith.cmpi slt, %sub3A_55, %lt3A_58 : vector<16xi32>
      %and3A = arith.andi %ge3A_57, %lt3A_59 : vector<16xi1>
      %jit3A = arith.constant 0 : i32
      %jit3A_60 = arith.constant 15 : i32
      %max3A = vector.broadcast %jit3A : i32 to vector<16xi32>
      %max3A_61 = arith.maxsi %max3A, %sub3A_55 : vector<16xi32>
      %min3A = vector.broadcast %jit3A_60 : i32 to vector<16xi32>
      %min3A_62 = arith.minsi %min3A, %max3A_61 : vector<16xi32>
      tpu.vector_store_idx %arg13[%min3A_62, %gather3A_54], %broadcast_in_dim3A_3 masked %and3A : memref<16x512xf32, #tpu.memory_space<vmem>>[vector<16xi32>, vector<16xi32>], vector<16xf32>, vector<16xi1>
      %mul3A_63 = arith.constant 64 : i32
      %mul3A_64 = arith.muli %scan3A_45, %mul3A_63 : i32
      %add3A_65 = arith.constant 16 : i32
      %add3A_66 = arith.addi %mul3A_64, %add3A_65 : i32
      %add3A_67 = vector.broadcast %add3A_66 : i32 to vector<16xi32>
      %add3A_68 = arith.addi %add3A_67, %iota3A : vector<16xi32>
      %gather3A_69 = tpu.vector_load_idx %arg14[%add3A_68] : memref<2048xi32, #tpu.memory_space<vmem>>[vector<16xi32>], vector<16xi32>,
      %add3A_70 = vector.broadcast %add3A_66 : i32 to vector<16xi32>
      %add3A_71 = arith.addi %add3A_70, %iota3A : vector<16xi32>
      %gather3A_72 = tpu.vector_load_idx %arg15[%add3A_71] : memref<2048xi32, #tpu.memory_space<vmem>>[vector<16xi32>], vector<16xi32>,
      %sub3A_73 = vector.broadcast %mul3A_2 : i32 to vector<16xi32>
      %sub3A_74 = arith.subi %gather3A_69, %sub3A_73 : vector<16xi32>
      %ge3A_75 = arith.constant 0 : i32
      %ge3A_76 = vector.broadcast %ge3A_75 : i32 to vector<16xi32>
      %ge3A_77 = arith.cmpi sge, %sub3A_74, %ge3A_76 : vector<16xi32>
      %lt3A_78 = arith.constant 16 : i32
      %lt3A_79 = vector.broadcast %lt3A_78 : i32 to vector<16xi32>
      %lt3A_80 = arith.cmpi slt, %sub3A_74, %lt3A_79 : vector<16xi32>
      %and3A_81 = arith.andi %ge3A_77, %lt3A_80 : vector<16xi1>
      %jit3A_82 = arith.constant 0 : i32
      %jit3A_83 = arith.constant 15 : i32
      %max3A_84 = vector.broadcast %jit3A_82 : i32 to vector<16xi32>
      %max3A_85 = arith.maxsi %max3A_84, %sub3A_74 : vector<16xi32>
      %min3A_86 = vector.broadcast %jit3A_83 : i32 to vector<16xi32>
      %min3A_87 = arith.minsi %min3A_86, %max3A_85 : vector<16xi32>
      tpu.vector_store_idx %arg13[%min3A_87, %gather3A_72], %broadcast_in_dim3A_3 masked %and3A_81 : memref<16x512xf32, #tpu.memory_space<vmem>>[vector<16xi32>, vector<16xi32>], vector<16xf32>, vector<16xi1>
      %mul3A_88 = arith.constant 64 : i32
      %mul3A_89 = arith.muli %scan3A_45, %mul3A_88 : i32
      %add3A_90 = arith.constant 32 : i32
      %add3A_91 = arith.addi %mul3A_89, %add3A_90 : i32
      %add3A_92 = vector.broadcast %add3A_91 : i32 to vector<16xi32>
      %add3A_93 = arith.addi %add3A_92, %iota3A : vector<16xi32>
      %gather3A_94 = tpu.vector_load_idx %arg14[%add3A_93] : memref<2048xi32, #tpu.memory_space<vmem>>[vector<16xi32>], vector<16xi32>,
      %add3A_95 = vector.broadcast %add3A_91 : i32 to vector<16xi32>
      %add3A_96 = arith.addi %add3A_95, %iota3A : vector<16xi32>
      %gather3A_97 = tpu.vector_load_idx %arg15[%add3A_96] : memref<2048xi32, #tpu.memory_space<vmem>>[vector<16xi32>], vector<16xi32>,
      %sub3A_98 = vector.broadcast %mul3A_2 : i32 to vector<16xi32>
      %sub3A_99 = arith.subi %gather3A_94, %sub3A_98 : vector<16xi32>
      %ge3A_100 = arith.constant 0 : i32
      %ge3A_101 = vector.broadcast %ge3A_100 : i32 to vector<16xi32>
      %ge3A_102 = arith.cmpi sge, %sub3A_99, %ge3A_101 : vector<16xi32>
      %lt3A_103 = arith.constant 16 : i32
      %lt3A_104 = vector.broadcast %lt3A_103 : i32 to vector<16xi32>
      %lt3A_105 = arith.cmpi slt, %sub3A_99, %lt3A_104 : vector<16xi32>
      %and3A_106 = arith.andi %ge3A_102, %lt3A_105 : vector<16xi1>
      %jit3A_107 = arith.constant 0 : i32
      %jit3A_108 = arith.constant 15 : i32
      %max3A_109 = vector.broadcast %jit3A_107 : i32 to vector<16xi32>
      %max3A_110 = arith.maxsi %max3A_109, %sub3A_99 : vector<16xi32>
      %min3A_111 = vector.broadcast %jit3A_108 : i32 to vector<16xi32>
      %min3A_112 = arith.minsi %min3A_111, %max3A_110 : vector<16xi32>
      tpu.vector_store_idx %arg13[%min3A_112, %gather3A_97], %broadcast_in_dim3A_3 masked %and3A_106 : memref<16x512xf32, #tpu.memory_space<vmem>>[vector<16xi32>, vector<16xi32>], vector<16xf32>, vector<16xi1>
      %mul3A_113 = arith.constant 64 : i32
      %mul3A_114 = arith.muli %scan3A_45, %mul3A_113 : i32
      %add3A_115 = arith.constant 48 : i32
      %add3A_116 = arith.addi %mul3A_114, %add3A_115 : i32
      %add3A_117 = vector.broadcast %add3A_116 : i32 to vector<16xi32>
      %add3A_118 = arith.addi %add3A_117, %iota3A : vector<16xi32>
      %gather3A_119 = tpu.vector_load_idx %arg14[%add3A_118] : memref<2048xi32, #tpu.memory_space<vmem>>[vector<16xi32>], vector<16xi32>,
      %add3A_120 = vector.broadcast %add3A_116 : i32 to vector<16xi32>
      %add3A_121 = arith.addi %add3A_120, %iota3A : vector<16xi32>
      %gather3A_122 = tpu.vector_load_idx %arg15[%add3A_121] : memref<2048xi32, #tpu.memory_space<vmem>>[vector<16xi32>], vector<16xi32>,
      %sub3A_123 = vector.broadcast %mul3A_2 : i32 to vector<16xi32>
      %sub3A_124 = arith.subi %gather3A_119, %sub3A_123 : vector<16xi32>
      %ge3A_125 = arith.constant 0 : i32
      %ge3A_126 = vector.broadcast %ge3A_125 : i32 to vector<16xi32>
      %ge3A_127 = arith.cmpi sge, %sub3A_124, %ge3A_126 : vector<16xi32>
      %lt3A_128 = arith.constant 16 : i32
      %lt3A_129 = vector.broadcast %lt3A_128 : i32 to vector<16xi32>
      %lt3A_130 = arith.cmpi slt, %sub3A_124, %lt3A_129 : vector<16xi32>
      %and3A_131 = arith.andi %ge3A_127, %lt3A_130 : vector<16xi1>
      %jit3A_132 = arith.constant 0 : i32
      %jit3A_133 = arith.constant 15 : i32
      %max3A_134 = vector.broadcast %jit3A_132 : i32 to vector<16xi32>
      %max3A_135 = arith.maxsi %max3A_134, %sub3A_124 : vector<16xi32>
      %min3A_136 = vector.broadcast %jit3A_133 : i32 to vector<16xi32>
      %min3A_137 = arith.minsi %min3A_136, %max3A_135 : vector<16xi32>
      tpu.vector_store_idx %arg13[%min3A_137, %gather3A_122], %broadcast_in_dim3A_3 masked %and3A_131 : memref<16x512xf32, #tpu.memory_space<vmem>>[vector<16xi32>, vector<16xi32>], vector<16xf32>, vector<16xi1>
    }
    %scan3A_36 = arith.constant 32 : i32
    "tpu.region"() ({
      %run_scoped3A_45 = tpu.sem_alloc : memref<!tpu.dma_semaphore, #tpu.memory_space<semaphore_mem>>
      %dma_start3A_46 = arith.constant 0 : i32
      %dma_start3A_47 = tpu.memref_slice %arg7[%mul3A_2, %dma_start3A_46] : memref<512x512xf32, #tpu.memory_space<hbm>> -> memref<16x512xf32, #tpu.memory_space<hbm>>
      %dma_start3A_48 = arith.constant 0 : i32
      %dma_start3A_49 = tpu.memref_slice %arg7[%mul3A_2, %dma_start3A_48] : memref<512x512xf32, #tpu.memory_space<hbm>> -> memref<16x512xf32, #tpu.memory_space<hbm>>
      tpu.enqueue_dma source(%arg13 : memref<16x512xf32, #tpu.memory_space<vmem>>) target(%dma_start3A_49 : memref<16x512xf32, #tpu.memory_space<hbm>>) target_semaphore(%run_scoped3A_45 : memref<!tpu.dma_semaphore, #tpu.memory_space<semaphore_mem>>)
      %dma_wait3A_50 = arith.constant 0 : i32
      %dma_wait3A_51 = tpu.memref_slice %arg7[%mul3A_2, %dma_wait3A_50] : memref<512x512xf32, #tpu.memory_space<hbm>> -> memref<16x512xf32, #tpu.memory_space<hbm>>
      %dma_wait3A_52 = arith.constant 0 : i32
      %dma_wait3A_53 = tpu.memref_slice %arg7[%mul3A_2, %dma_wait3A_52] : memref<512x512xf32, #tpu.memory_space<hbm>> -> memref<16x512xf32, #tpu.memory_space<hbm>>
      tpu.wait_dma2 semaphore(%run_scoped3A_45 : memref<!tpu.dma_semaphore, #tpu.memory_space<semaphore_mem>>) src(%arg13 : memref<16x512xf32, #tpu.memory_space<vmem>>) dst(%dma_wait3A_53 : memref<16x512xf32, #tpu.memory_space<hbm>>)
      tpu.yield
    }) : () -> ()
    %dma_wait3A = arith.constant 0 : i32
    %dma_wait3A_37 = arith.constant 0 : i32
    %dma_wait3A_38 = tpu.memref_slice %arg2[%dma_wait3A, %dma_wait3A_37] : memref<4096x4096xf32, #tpu.memory_space<hbm>> -> memref<4096x4096xf32, #tpu.memory_space<hbm>>
    tpu.wait_indirect_dma semaphore(%arg16 : memref<!tpu.dma_semaphore, #tpu.memory_space<semaphore_mem>>) src(%dma_wait3A_38 : memref<4096x4096xf32, #tpu.memory_space<hbm>>) dst(%arg11 : memref<16x4096xf32, #tpu.memory_space<vmem>>)
    %scan3A_39 = arith.constant 0 : i32
    %scan3A_40 = arith.constant 0 : i32
    %scan3A_41 = arith.constant 32 : i32
    %scan3A_42 = arith.addi %scan3A_40, %scan3A_41 : i32
    %scan3A_43 = arith.constant 1 : i32
    scf.for %scan3A_45 = %scan3A_40 to %scan3A_42 step %scan3A_43  : i32 {
      %mul3A_46 = arith.constant 16 : i32
      %mul3A_47 = arith.muli %scan3A_45, %mul3A_46 : i32
      %add3A_48 = vector.broadcast %mul3A_47 : i32 to vector<16xi32>
      %add3A_49 = arith.addi %add3A_48, %iota3A : vector<16xi32>
      %gather3A = tpu.vector_load_idx %arg10[%add3A_49] : memref<512xi32, #tpu.memory_space<vmem>>[vector<16xi32>], vector<16xi32>,
      %broadcast_in_dim3A_50 = arith.constant 0 : i32
      %broadcast_in_dim3A_51 = vector.broadcast %broadcast_in_dim3A_50 : i32 to vector<16xi32>
      %gather3A_52 = tpu.vector_load_idx %arg11[%broadcast_in_dim3A_51, %gather3A] : memref<16x4096xf32, #tpu.memory_space<vmem>>[vector<16xi32>, vector<16xi32>], vector<16xf32>,
      %mul3A_53 = arith.constant 16 : i32
      %mul3A_54 = arith.muli %scan3A_45, %mul3A_53 : i32
      %add3A_55 = vector.broadcast %mul3A_54 : i32 to vector<16xi32>
      %add3A_56 = arith.addi %add3A_55, %iota3A : vector<16xi32>
      tpu.vector_store_idx %arg12[%broadcast_in_dim3A_51, %add3A_56], %gather3A_52 : memref<16x512xf32, #tpu.memory_space<vmem>>[vector<16xi32>, vector<16xi32>], vector<16xf32>,
      %broadcast_in_dim3A_57 = arith.constant 1 : i32
      %broadcast_in_dim3A_58 = vector.broadcast %broadcast_in_dim3A_57 : i32 to vector<16xi32>
      %gather3A_59 = tpu.vector_load_idx %arg11[%broadcast_in_dim3A_58, %gather3A] : memref<16x4096xf32, #tpu.memory_space<vmem>>[vector<16xi32>, vector<16xi32>], vector<16xf32>,
      %mul3A_60 = arith.constant 16 : i32
      %mul3A_61 = arith.muli %scan3A_45, %mul3A_60 : i32
      %add3A_62 = vector.broadcast %mul3A_61 : i32 to vector<16xi32>
      %add3A_63 = arith.addi %add3A_62, %iota3A : vector<16xi32>
      tpu.vector_store_idx %arg12[%broadcast_in_dim3A_58, %add3A_63], %gather3A_59 : memref<16x512xf32, #tpu.memory_space<vmem>>[vector<16xi32>, vector<16xi32>], vector<16xf32>,
      %broadcast_in_dim3A_64 = arith.constant 2 : i32
      %broadcast_in_dim3A_65 = vector.broadcast %broadcast_in_dim3A_64 : i32 to vector<16xi32>
      %gather3A_66 = tpu.vector_load_idx %arg11[%broadcast_in_dim3A_65, %gather3A] : memref<16x4096xf32, #tpu.memory_space<vmem>>[vector<16xi32>, vector<16xi32>], vector<16xf32>,
      %mul3A_67 = arith.constant 16 : i32
      %mul3A_68 = arith.muli %scan3A_45, %mul3A_67 : i32
      %add3A_69 = vector.broadcast %mul3A_68 : i32 to vector<16xi32>
      %add3A_70 = arith.addi %add3A_69, %iota3A : vector<16xi32>
      tpu.vector_store_idx %arg12[%broadcast_in_dim3A_65, %add3A_70], %gather3A_66 : memref<16x512xf32, #tpu.memory_space<vmem>>[vector<16xi32>, vector<16xi32>], vector<16xf32>,
      %broadcast_in_dim3A_71 = arith.constant 3 : i32
      %broadcast_in_dim3A_72 = vector.broadcast %broadcast_in_dim3A_71 : i32 to vector<16xi32>
      %gather3A_73 = tpu.vector_load_idx %arg11[%broadcast_in_dim3A_72, %gather3A] : memref<16x4096xf32, #tpu.memory_space<vmem>>[vector<16xi32>, vector<16xi32>], vector<16xf32>,
      %mul3A_74 = arith.constant 16 : i32
      %mul3A_75 = arith.muli %scan3A_45, %mul3A_74 : i32
      %add3A_76 = vector.broadcast %mul3A_75 : i32 to vector<16xi32>
      %add3A_77 = arith.addi %add3A_76, %iota3A : vector<16xi32>
      tpu.vector_store_idx %arg12[%broadcast_in_dim3A_72, %add3A_77], %gather3A_73 : memref<16x512xf32, #tpu.memory_space<vmem>>[vector<16xi32>, vector<16xi32>], vector<16xf32>,
      %broadcast_in_dim3A_78 = arith.constant 4 : i32
      %broadcast_in_dim3A_79 = vector.broadcast %broadcast_in_dim3A_78 : i32 to vector<16xi32>
      %gather3A_80 = tpu.vector_load_idx %arg11[%broadcast_in_dim3A_79, %gather3A] : memref<16x4096xf32, #tpu.memory_space<vmem>>[vector<16xi32>, vector<16xi32>], vector<16xf32>,
      %mul3A_81 = arith.constant 16 : i32
      %mul3A_82 = arith.muli %scan3A_45, %mul3A_81 : i32
      %add3A_83 = vector.broadcast %mul3A_82 : i32 to vector<16xi32>
      %add3A_84 = arith.addi %add3A_83, %iota3A : vector<16xi32>
      tpu.vector_store_idx %arg12[%broadcast_in_dim3A_79, %add3A_84], %gather3A_80 : memref<16x512xf32, #tpu.memory_space<vmem>>[vector<16xi32>, vector<16xi32>], vector<16xf32>,
      %broadcast_in_dim3A_85 = arith.constant 5 : i32
      %broadcast_in_dim3A_86 = vector.broadcast %broadcast_in_dim3A_85 : i32 to vector<16xi32>
      %gather3A_87 = tpu.vector_load_idx %arg11[%broadcast_in_dim3A_86, %gather3A] : memref<16x4096xf32, #tpu.memory_space<vmem>>[vector<16xi32>, vector<16xi32>], vector<16xf32>,
      %mul3A_88 = arith.constant 16 : i32
      %mul3A_89 = arith.muli %scan3A_45, %mul3A_88 : i32
      %add3A_90 = vector.broadcast %mul3A_89 : i32 to vector<16xi32>
      %add3A_91 = arith.addi %add3A_90, %iota3A : vector<16xi32>
      tpu.vector_store_idx %arg12[%broadcast_in_dim3A_86, %add3A_91], %gather3A_87 : memref<16x512xf32, #tpu.memory_space<vmem>>[vector<16xi32>, vector<16xi32>], vector<16xf32>,
      %broadcast_in_dim3A_92 = arith.constant 6 : i32
      %broadcast_in_dim3A_93 = vector.broadcast %broadcast_in_dim3A_92 : i32 to vector<16xi32>
      %gather3A_94 = tpu.vector_load_idx %arg11[%broadcast_in_dim3A_93, %gather3A] : memref<16x4096xf32, #tpu.memory_space<vmem>>[vector<16xi32>, vector<16xi32>], vector<16xf32>,
      %mul3A_95 = arith.constant 16 : i32
      %mul3A_96 = arith.muli %scan3A_45, %mul3A_95 : i32
      %add3A_97 = vector.broadcast %mul3A_96 : i32 to vector<16xi32>
      %add3A_98 = arith.addi %add3A_97, %iota3A : vector<16xi32>
      tpu.vector_store_idx %arg12[%broadcast_in_dim3A_93, %add3A_98], %gather3A_94 : memref<16x512xf32, #tpu.memory_space<vmem>>[vector<16xi32>, vector<16xi32>], vector<16xf32>,
      %broadcast_in_dim3A_99 = arith.constant 7 : i32
      %broadcast_in_dim3A_100 = vector.broadcast %broadcast_in_dim3A_99 : i32 to vector<16xi32>
      %gather3A_101 = tpu.vector_load_idx %arg11[%broadcast_in_dim3A_100, %gather3A] : memref<16x4096xf32, #tpu.memory_space<vmem>>[vector<16xi32>, vector<16xi32>], vector<16xf32>,
      %mul3A_102 = arith.constant 16 : i32
      %mul3A_103 = arith.muli %scan3A_45, %mul3A_102 : i32
      %add3A_104 = vector.broadcast %mul3A_103 : i32 to vector<16xi32>
      %add3A_105 = arith.addi %add3A_104, %iota3A : vector<16xi32>
      tpu.vector_store_idx %arg12[%broadcast_in_dim3A_100, %add3A_105], %gather3A_101 : memref<16x512xf32, #tpu.memory_space<vmem>>[vector<16xi32>, vector<16xi32>], vector<16xf32>,
      %broadcast_in_dim3A_106 = arith.constant 8 : i32
      %broadcast_in_dim3A_107 = vector.broadcast %broadcast_in_dim3A_106 : i32 to vector<16xi32>
      %gather3A_108 = tpu.vector_load_idx %arg11[%broadcast_in_dim3A_107, %gather3A] : memref<16x4096xf32, #tpu.memory_space<vmem>>[vector<16xi32>, vector<16xi32>], vector<16xf32>,
      %mul3A_109 = arith.constant 16 : i32
      %mul3A_110 = arith.muli %scan3A_45, %mul3A_109 : i32
      %add3A_111 = vector.broadcast %mul3A_110 : i32 to vector<16xi32>
      %add3A_112 = arith.addi %add3A_111, %iota3A : vector<16xi32>
      tpu.vector_store_idx %arg12[%broadcast_in_dim3A_107, %add3A_112], %gather3A_108 : memref<16x512xf32, #tpu.memory_space<vmem>>[vector<16xi32>, vector<16xi32>], vector<16xf32>,
      %broadcast_in_dim3A_113 = arith.constant 9 : i32
      %broadcast_in_dim3A_114 = vector.broadcast %broadcast_in_dim3A_113 : i32 to vector<16xi32>
      %gather3A_115 = tpu.vector_load_idx %arg11[%broadcast_in_dim3A_114, %gather3A] : memref<16x4096xf32, #tpu.memory_space<vmem>>[vector<16xi32>, vector<16xi32>], vector<16xf32>,
      %mul3A_116 = arith.constant 16 : i32
      %mul3A_117 = arith.muli %scan3A_45, %mul3A_116 : i32
      %add3A_118 = vector.broadcast %mul3A_117 : i32 to vector<16xi32>
      %add3A_119 = arith.addi %add3A_118, %iota3A : vector<16xi32>
      tpu.vector_store_idx %arg12[%broadcast_in_dim3A_114, %add3A_119], %gather3A_115 : memref<16x512xf32, #tpu.memory_space<vmem>>[vector<16xi32>, vector<16xi32>], vector<16xf32>,
      %broadcast_in_dim3A_120 = arith.constant 10 : i32
      %broadcast_in_dim3A_121 = vector.broadcast %broadcast_in_dim3A_120 : i32 to vector<16xi32>
      %gather3A_122 = tpu.vector_load_idx %arg11[%broadcast_in_dim3A_121, %gather3A] : memref<16x4096xf32, #tpu.memory_space<vmem>>[vector<16xi32>, vector<16xi32>], vector<16xf32>,
      %mul3A_123 = arith.constant 16 : i32
      %mul3A_124 = arith.muli %scan3A_45, %mul3A_123 : i32
      %add3A_125 = vector.broadcast %mul3A_124 : i32 to vector<16xi32>
      %add3A_126 = arith.addi %add3A_125, %iota3A : vector<16xi32>
      tpu.vector_store_idx %arg12[%broadcast_in_dim3A_121, %add3A_126], %gather3A_122 : memref<16x512xf32, #tpu.memory_space<vmem>>[vector<16xi32>, vector<16xi32>], vector<16xf32>,
      %broadcast_in_dim3A_127 = arith.constant 11 : i32
      %broadcast_in_dim3A_128 = vector.broadcast %broadcast_in_dim3A_127 : i32 to vector<16xi32>
      %gather3A_129 = tpu.vector_load_idx %arg11[%broadcast_in_dim3A_128, %gather3A] : memref<16x4096xf32, #tpu.memory_space<vmem>>[vector<16xi32>, vector<16xi32>], vector<16xf32>,
      %mul3A_130 = arith.constant 16 : i32
      %mul3A_131 = arith.muli %scan3A_45, %mul3A_130 : i32
      %add3A_132 = vector.broadcast %mul3A_131 : i32 to vector<16xi32>
      %add3A_133 = arith.addi %add3A_132, %iota3A : vector<16xi32>
      tpu.vector_store_idx %arg12[%broadcast_in_dim3A_128, %add3A_133], %gather3A_129 : memref<16x512xf32, #tpu.memory_space<vmem>>[vector<16xi32>, vector<16xi32>], vector<16xf32>,
      %broadcast_in_dim3A_134 = arith.constant 12 : i32
      %broadcast_in_dim3A_135 = vector.broadcast %broadcast_in_dim3A_134 : i32 to vector<16xi32>
      %gather3A_136 = tpu.vector_load_idx %arg11[%broadcast_in_dim3A_135, %gather3A] : memref<16x4096xf32, #tpu.memory_space<vmem>>[vector<16xi32>, vector<16xi32>], vector<16xf32>,
      %mul3A_137 = arith.constant 16 : i32
      %mul3A_138 = arith.muli %scan3A_45, %mul3A_137 : i32
      %add3A_139 = vector.broadcast %mul3A_138 : i32 to vector<16xi32>
      %add3A_140 = arith.addi %add3A_139, %iota3A : vector<16xi32>
      tpu.vector_store_idx %arg12[%broadcast_in_dim3A_135, %add3A_140], %gather3A_136 : memref<16x512xf32, #tpu.memory_space<vmem>>[vector<16xi32>, vector<16xi32>], vector<16xf32>,
      %broadcast_in_dim3A_141 = arith.constant 13 : i32
      %broadcast_in_dim3A_142 = vector.broadcast %broadcast_in_dim3A_141 : i32 to vector<16xi32>
      %gather3A_143 = tpu.vector_load_idx %arg11[%broadcast_in_dim3A_142, %gather3A] : memref<16x4096xf32, #tpu.memory_space<vmem>>[vector<16xi32>, vector<16xi32>], vector<16xf32>,
      %mul3A_144 = arith.constant 16 : i32
      %mul3A_145 = arith.muli %scan3A_45, %mul3A_144 : i32
      %add3A_146 = vector.broadcast %mul3A_145 : i32 to vector<16xi32>
      %add3A_147 = arith.addi %add3A_146, %iota3A : vector<16xi32>
      tpu.vector_store_idx %arg12[%broadcast_in_dim3A_142, %add3A_147], %gather3A_143 : memref<16x512xf32, #tpu.memory_space<vmem>>[vector<16xi32>, vector<16xi32>], vector<16xf32>,
      %broadcast_in_dim3A_148 = arith.constant 14 : i32
      %broadcast_in_dim3A_149 = vector.broadcast %broadcast_in_dim3A_148 : i32 to vector<16xi32>
      %gather3A_150 = tpu.vector_load_idx %arg11[%broadcast_in_dim3A_149, %gather3A] : memref<16x4096xf32, #tpu.memory_space<vmem>>[vector<16xi32>, vector<16xi32>], vector<16xf32>,
      %mul3A_151 = arith.constant 16 : i32
      %mul3A_152 = arith.muli %scan3A_45, %mul3A_151 : i32
      %add3A_153 = vector.broadcast %mul3A_152 : i32 to vector<16xi32>
      %add3A_154 = arith.addi %add3A_153, %iota3A : vector<16xi32>
      tpu.vector_store_idx %arg12[%broadcast_in_dim3A_149, %add3A_154], %gather3A_150 : memref<16x512xf32, #tpu.memory_space<vmem>>[vector<16xi32>, vector<16xi32>], vector<16xf32>,
      %broadcast_in_dim3A_155 = arith.constant 15 : i32
      %broadcast_in_dim3A_156 = vector.broadcast %broadcast_in_dim3A_155 : i32 to vector<16xi32>
      %gather3A_157 = tpu.vector_load_idx %arg11[%broadcast_in_dim3A_156, %gather3A] : memref<16x4096xf32, #tpu.memory_space<vmem>>[vector<16xi32>, vector<16xi32>], vector<16xf32>,
      %mul3A_158 = arith.constant 16 : i32
      %mul3A_159 = arith.muli %scan3A_45, %mul3A_158 : i32
      %add3A_160 = vector.broadcast %mul3A_159 : i32 to vector<16xi32>
      %add3A_161 = arith.addi %add3A_160, %iota3A : vector<16xi32>
      tpu.vector_store_idx %arg12[%broadcast_in_dim3A_156, %add3A_161], %gather3A_157 : memref<16x512xf32, #tpu.memory_space<vmem>>[vector<16xi32>, vector<16xi32>], vector<16xf32>,
    }
    %scan3A_44 = arith.constant 32 : i32
    "tpu.region"() ({
      %run_scoped3A_45 = tpu.sem_alloc : memref<!tpu.dma_semaphore, #tpu.memory_space<semaphore_mem>>
      %dma_start3A_46 = arith.constant 0 : i32
      %dma_start3A_47 = tpu.memref_slice %arg8[%mul3A_2, %dma_start3A_46] : memref<512x512xf32, #tpu.memory_space<hbm>> -> memref<16x512xf32, #tpu.memory_space<hbm>>
      %dma_start3A_48 = arith.constant 0 : i32
      %dma_start3A_49 = tpu.memref_slice %arg8[%mul3A_2, %dma_start3A_48] : memref<512x512xf32, #tpu.memory_space<hbm>> -> memref<16x512xf32, #tpu.memory_space<hbm>>
      tpu.enqueue_dma source(%arg12 : memref<16x512xf32, #tpu.memory_space<vmem>>) target(%dma_start3A_49 : memref<16x512xf32, #tpu.memory_space<hbm>>) target_semaphore(%run_scoped3A_45 : memref<!tpu.dma_semaphore, #tpu.memory_space<semaphore_mem>>)
      %dma_wait3A_50 = arith.constant 0 : i32
      %dma_wait3A_51 = tpu.memref_slice %arg8[%mul3A_2, %dma_wait3A_50] : memref<512x512xf32, #tpu.memory_space<hbm>> -> memref<16x512xf32, #tpu.memory_space<hbm>>
      %dma_wait3A_52 = arith.constant 0 : i32
      %dma_wait3A_53 = tpu.memref_slice %arg8[%mul3A_2, %dma_wait3A_52] : memref<512x512xf32, #tpu.memory_space<hbm>> -> memref<16x512xf32, #tpu.memory_space<hbm>>
      tpu.wait_dma2 semaphore(%run_scoped3A_45 : memref<!tpu.dma_semaphore, #tpu.memory_space<semaphore_mem>>) src(%arg12 : memref<16x512xf32, #tpu.memory_space<vmem>>) dst(%dma_wait3A_53 : memref<16x512xf32, #tpu.memory_space<hbm>>)
      tpu.yield
    }) : () -> ()
    return
  }
}

module attributes {stable_mosaic.version = 14 : i64} {
  func.func @_feat_body(%arg0: i32, %arg1: memref<512x1xf32, #tpu.memory_space<vmem>>, %arg2: memref<512x1xf32, #tpu.memory_space<vmem>>, %arg3: memref<4096x128xf32, #tpu.memory_space<vmem>>, %arg4: memref<4096x128xf32, #tpu.memory_space<vmem>>, %arg5: memref<4096x3xf32, #tpu.memory_space<vmem>>, %arg6: memref<4096x3xf32, #tpu.memory_space<vmem>>, %arg7: memref<16x512x256xf32, #tpu.memory_space<vmem>>, %arg8: memref<512x3xf32, #tpu.memory_space<vmem>>, %arg9: memref<512x3xf32, #tpu.memory_space<vmem>>, %arg10: memref<512x128xf32, #tpu.memory_space<vmem>>, %arg11: memref<512x128xf32, #tpu.memory_space<vmem>>) attributes {dimension_semantics = [#tpu.dimension_semantics<arbitrary>], iteration_bounds = array<i64: 32>, scalar_prefetch = 0 : i64, scratch_operands = 2 : i64, tpu.core_type = #tpu.core_type<tc>, window_params = [{pipeline_mode = #tpu.pipeline_mode<synchronous>, transform_indices = @transform_0, window_bounds = array<i64: 512, 1>}, {pipeline_mode = #tpu.pipeline_mode<synchronous>, transform_indices = @transform_1, window_bounds = array<i64: 512, 1>}, {pipeline_mode = #tpu.pipeline_mode<synchronous>, transform_indices = @transform_2, window_bounds = array<i64: 4096, 128>}, {pipeline_mode = #tpu.pipeline_mode<synchronous>, transform_indices = @transform_3, window_bounds = array<i64: 4096, 128>}, {pipeline_mode = #tpu.pipeline_mode<synchronous>, transform_indices = @transform_4, window_bounds = array<i64: 4096, 3>}, {pipeline_mode = #tpu.pipeline_mode<synchronous>, transform_indices = @transform_5, window_bounds = array<i64: 4096, 3>}, {transform_indices = @transform_6, window_bounds = array<i64: 16, 512, 256>}, {pipeline_mode = #tpu.pipeline_mode<synchronous>, transform_indices = @transform_7, window_bounds = array<i64: 512, 3>}, {pipeline_mode = #tpu.pipeline_mode<synchronous>, transform_indices = @transform_8, window_bounds = array<i64: 512, 3>}]} {
    %eq3A = arith.constant 0 : i32
    %eq3A_0 = arith.cmpi eq, %arg0, %eq3A : i32
    %convert_element_type3A = arith.extui %eq3A_0 : i1 to i32
    %cond3A = arith.constant 0 : i32
    %cond3A_1 = arith.cmpi ne, %convert_element_type3A, %cond3A : i32
    scf.if %cond3A_1 {
      %iota3A = tpu.iota {dimensions = array<i32: 1>} : vector<512x4096xi32>
      %convert_element_type3A_20 = arith.sitofp %iota3A : vector<512x4096xi32> to vector<512x4096xf32>
      %get3A_21 = arith.constant 0 : index
      %get3A_22 = arith.constant 0 : index
      %get3A_23 = vector.load %arg1[%get3A_21, %get3A_22] : memref<512x1xf32, #tpu.memory_space<vmem>>, vector<512x1xf32>
      %eq3A_24 = vector.broadcast %get3A_23 : vector<512x1xf32> to vector<512x4096xf32>
      %eq3A_25 = arith.cmpf oeq, %eq3A_24, %convert_element_type3A_20 : vector<512x4096xf32>
      %convert_element_type3A_26 = arith.extui %eq3A_25 : vector<512x4096xi1> to vector<512x4096xi32>
      %convert_element_type3A_27 = arith.sitofp %convert_element_type3A_26 : vector<512x4096xi32> to vector<512x4096xf32>
      %get3A_28 = arith.constant 0 : index
      %get3A_29 = arith.constant 0 : index
      %get3A_30 = vector.load %arg3[%get3A_28, %get3A_29] : memref<4096x128xf32, #tpu.memory_space<vmem>>, vector<4096x128xf32>
      %dot_general3A = arith.constant dense<0.000000e+00> : vector<512x128xf32>
      %dot_general3A_31 = tpu.matmul %convert_element_type3A_27, %get3A_30, %dot_general3A {dimension_numbers = #tpu.dot_dimension_numbers<[1], [0], [0], [1], [0, 0, 1, 1], [], []>, transpose_lhs_hint = false} : vector<512x4096xf32>, vector<4096x128xf32>, vector<512x128xf32> -> vector<512x128xf32>
      %swap3A_32 = arith.constant 0 : index
      %swap3A_33 = arith.constant 0 : index
      %swap3A_34 = vector.load %arg10[%swap3A_32, %swap3A_33] : memref<512x128xf32, #tpu.memory_space<vmem>>, vector<512x128xf32>
      tpu.vector_store %arg10[%swap3A_32, %swap3A_33], %dot_general3A_31 {strides = array<i32>} : memref<512x128xf32, #tpu.memory_space<vmem>>, vector<512x128xf32>,
      %get3A_35 = arith.constant 0 : index
      %get3A_36 = arith.constant 0 : index
      %get3A_37 = vector.load %arg5[%get3A_35, %get3A_36] : memref<4096x3xf32, #tpu.memory_space<vmem>>, vector<4096x3xf32>
      %dot_general3A_38 = arith.constant dense<0.000000e+00> : vector<512x3xf32>
      %dot_general3A_39 = tpu.matmul %convert_element_type3A_27, %get3A_37, %dot_general3A_38 {dimension_numbers = #tpu.dot_dimension_numbers<[1], [0], [0], [1], [0, 0, 1, 1], [], []>, transpose_lhs_hint = false} : vector<512x4096xf32>, vector<4096x3xf32>, vector<512x3xf32> -> vector<512x3xf32>
      %swap3A_40 = arith.constant 0 : index
      %swap3A_41 = arith.constant 0 : index
      %swap3A_42 = vector.load %arg8[%swap3A_40, %swap3A_41] : memref<512x3xf32, #tpu.memory_space<vmem>>, vector<512x3xf32>
      tpu.vector_store %arg8[%swap3A_40, %swap3A_41], %dot_general3A_39 {strides = array<i32>} : memref<512x3xf32, #tpu.memory_space<vmem>>, vector<512x3xf32>,
      %iota3A_43 = tpu.iota {dimensions = array<i32: 1>} : vector<512x4096xi32>
      %convert_element_type3A_44 = arith.sitofp %iota3A_43 : vector<512x4096xi32> to vector<512x4096xf32>
      %get3A_45 = arith.constant 0 : index
      %get3A_46 = arith.constant 0 : index
      %get3A_47 = vector.load %arg2[%get3A_45, %get3A_46] : memref<512x1xf32, #tpu.memory_space<vmem>>, vector<512x1xf32>
      %eq3A_48 = vector.broadcast %get3A_47 : vector<512x1xf32> to vector<512x4096xf32>
      %eq3A_49 = arith.cmpf oeq, %eq3A_48, %convert_element_type3A_44 : vector<512x4096xf32>
      %convert_element_type3A_50 = arith.extui %eq3A_49 : vector<512x4096xi1> to vector<512x4096xi32>
      %convert_element_type3A_51 = arith.sitofp %convert_element_type3A_50 : vector<512x4096xi32> to vector<512x4096xf32>
      %get3A_52 = arith.constant 0 : index
      %get3A_53 = arith.constant 0 : index
      %get3A_54 = vector.load %arg4[%get3A_52, %get3A_53] : memref<4096x128xf32, #tpu.memory_space<vmem>>, vector<4096x128xf32>
      %dot_general3A_55 = arith.constant dense<0.000000e+00> : vector<512x128xf32>
      %dot_general3A_56 = tpu.matmul %convert_element_type3A_51, %get3A_54, %dot_general3A_55 {dimension_numbers = #tpu.dot_dimension_numbers<[1], [0], [0], [1], [0, 0, 1, 1], [], []>, transpose_lhs_hint = false} : vector<512x4096xf32>, vector<4096x128xf32>, vector<512x128xf32> -> vector<512x128xf32>
      %swap3A_57 = arith.constant 0 : index
      %swap3A_58 = arith.constant 0 : index
      %swap3A_59 = vector.load %arg11[%swap3A_57, %swap3A_58] : memref<512x128xf32, #tpu.memory_space<vmem>>, vector<512x128xf32>
      tpu.vector_store %arg11[%swap3A_57, %swap3A_58], %dot_general3A_56 {strides = array<i32>} : memref<512x128xf32, #tpu.memory_space<vmem>>, vector<512x128xf32>,
      %get3A_60 = arith.constant 0 : index
      %get3A_61 = arith.constant 0 : index
      %get3A_62 = vector.load %arg6[%get3A_60, %get3A_61] : memref<4096x3xf32, #tpu.memory_space<vmem>>, vector<4096x3xf32>
      %dot_general3A_63 = arith.constant dense<0.000000e+00> : vector<512x3xf32>
      %dot_general3A_64 = tpu.matmul %convert_element_type3A_51, %get3A_62, %dot_general3A_63 {dimension_numbers = #tpu.dot_dimension_numbers<[1], [0], [0], [1], [0, 0, 1, 1], [], []>, transpose_lhs_hint = false} : vector<512x4096xf32>, vector<4096x3xf32>, vector<512x3xf32> -> vector<512x3xf32>
      %swap3A_65 = arith.constant 0 : index
      %swap3A_66 = arith.constant 0 : index
      %swap3A_67 = vector.load %arg9[%swap3A_65, %swap3A_66] : memref<512x3xf32, #tpu.memory_space<vmem>>, vector<512x3xf32>
      tpu.vector_store %arg9[%swap3A_65, %swap3A_66], %dot_general3A_64 {strides = array<i32>} : memref<512x3xf32, #tpu.memory_space<vmem>>, vector<512x3xf32>,
    } else {
    }
    %mul3A = arith.constant 16 : i32
    %mul3A_2 = arith.muli %arg0, %mul3A : i32
    %get3A = arith.index_cast %mul3A_2 : i32 to index
    %get3A_3 = arith.constant 0 : index
    %get3A_4 = vector.load %arg10[%get3A, %get3A_3] : memref<512x128xf32, #tpu.memory_space<vmem>>, vector<16x128xf32>
    %broadcast_in_dim3A = vector.shape_cast %get3A_4 : vector<16x128xf32> to vector<16x1x128xf32>
    %broadcast_in_dim3A_5 = vector.shape_cast %broadcast_in_dim3A : vector<16x1x128xf32> to vector<16x1x128xf32>
    %broadcast_in_dim3A_6 = vector.broadcast %broadcast_in_dim3A_5 : vector<16x1x128xf32> to vector<16x512x128xf32>
    %swap3A = arith.constant 0 : index
    %swap3A_7 = arith.constant 0 : index
    %swap3A_8 = arith.constant 0 : index
    %swap3A_9 = vector.load %arg7[%swap3A, %swap3A_7, %swap3A_8] : memref<16x512x256xf32, #tpu.memory_space<vmem>>, vector<16x512x128xf32>
    tpu.vector_store %arg7[%swap3A, %swap3A_7, %swap3A_8], %broadcast_in_dim3A_6 {strides = array<i32>} : memref<16x512x256xf32, #tpu.memory_space<vmem>>, vector<16x512x128xf32>,
    %get3A_10 = arith.constant 0 : index
    %get3A_11 = arith.constant 0 : index
    %get3A_12 = vector.load %arg11[%get3A_10, %get3A_11] : memref<512x128xf32, #tpu.memory_space<vmem>>, vector<512x128xf32>
    %broadcast_in_dim3A_13 = vector.shape_cast %get3A_12 : vector<512x128xf32> to vector<1x512x128xf32>
    %broadcast_in_dim3A_14 = vector.shape_cast %broadcast_in_dim3A_13 : vector<1x512x128xf32> to vector<1x512x128xf32>
    %broadcast_in_dim3A_15 = vector.broadcast %broadcast_in_dim3A_14 : vector<1x512x128xf32> to vector<16x512x128xf32>
    %swap3A_16 = arith.constant 0 : index
    %swap3A_17 = arith.constant 0 : index
    %swap3A_18 = arith.constant 128 : index
    %swap3A_19 = vector.load %arg7[%swap3A_16, %swap3A_17, %swap3A_18] : memref<16x512x256xf32, #tpu.memory_space<vmem>>, vector<16x512x128xf32>
    tpu.vector_store %arg7[%swap3A_16, %swap3A_17, %swap3A_18], %broadcast_in_dim3A_15 {strides = array<i32>} : memref<16x512x256xf32, #tpu.memory_space<vmem>>, vector<16x512x128xf32>,
    return
  }
  func.func @transform_0(%arg0: i32) -> (i32, i32) {
    %c0_i32 = arith.constant 0 : i32
    %c0_i32_0 = arith.constant 0 : i32
    %c0_i32_1 = arith.constant 0 : i32
    return %c0_i32, %c0_i32_0 : i32, i32
  }
  func.func @transform_1(%arg0: i32) -> (i32, i32) {
    %c0_i32 = arith.constant 0 : i32
    %c0_i32_0 = arith.constant 0 : i32
    %c0_i32_1 = arith.constant 0 : i32
    return %c0_i32, %c0_i32_0 : i32, i32
  }
  func.func @transform_2(%arg0: i32) -> (i32, i32) {
    %c0_i32 = arith.constant 0 : i32
    %c0_i32_0 = arith.constant 0 : i32
    %c0_i32_1 = arith.constant 0 : i32
    return %c0_i32, %c0_i32_0 : i32, i32
  }
  func.func @transform_3(%arg0: i32) -> (i32, i32) {
    %c0_i32 = arith.constant 0 : i32
    %c0_i32_0 = arith.constant 0 : i32
    %c0_i32_1 = arith.constant 0 : i32
    return %c0_i32, %c0_i32_0 : i32, i32
  }
  func.func @transform_4(%arg0: i32) -> (i32, i32) {
    %c0_i32 = arith.constant 0 : i32
    %c0_i32_0 = arith.constant 0 : i32
    %c0_i32_1 = arith.constant 0 : i32
    return %c0_i32, %c0_i32_0 : i32, i32
  }
  func.func @transform_5(%arg0: i32) -> (i32, i32) {
    %c0_i32 = arith.constant 0 : i32
    %c0_i32_0 = arith.constant 0 : i32
    %c0_i32_1 = arith.constant 0 : i32
    return %c0_i32, %c0_i32_0 : i32, i32
  }
  func.func @transform_6(%arg0: i32) -> (i32, i32, i32) {
    %c0_i32 = arith.constant 0 : i32
    %c0_i32_0 = arith.constant 0 : i32
    %c0_i32_1 = arith.constant 0 : i32
    return %arg0, %c0_i32, %c0_i32_0 : i32, i32, i32
  }
  func.func @transform_7(%arg0: i32) -> (i32, i32) {
    %c0_i32 = arith.constant 0 : i32
    %c0_i32_0 = arith.constant 0 : i32
    %c0_i32_1 = arith.constant 0 : i32
    return %c0_i32, %c0_i32_0 : i32, i32
  }
  func.func @transform_8(%arg0: i32) -> (i32, i32) {
    %c0_i32 = arith.constant 0 : i32
    %c0_i32_0 = arith.constant 0 : i32
    %c0_i32_1 = arith.constant 0 : i32
    return %c0_i32, %c0_i32_0 : i32, i32
  }
}

</mosaic_0001>

<sc_bundles>
// kernel: kernel.4.cloned.1.call-start
scs
__scs_entry_jumppad:
0x0: {  	(pc) =	sbr.rel $0x88, $3  }
0x1: {  	(tag) =	ssettag $0x0;
	lr =	simm.s32 $0x1  }
0x2: {  	[smem:$0x3F98] =	sst lr;
	_ =	strace $0xD0000000  }
0x3: {  	_ = 	snop  }
0x4: {  	_ = 	snop  }
0x5: {  	_ = 	snop  }
0x6: {  	_ = 	snop  }
0x7: {  	_ = 	snop  }
__scs_overlays_trampoline_lowered:
0x8: {  	[smem:$0x3FA7] =	sst s0  }
0x9: {  	[smem:$0x3FA8] =	sst s1  }
0xa: {  	[smem:$0x3FA9] =	sst s2  }
0xb: {  	[smem:$0x3FAA] =	sst s3  }
0xc: {  	[smem:$0x3FAB] =	sst s4  }
0xd: {  	[smem:$0x3FAC] =	sst s5  }
0xe: {  	[smem:$0x3FAD] =	sst s6  }
0xf: {  	[smem:$0x3FAE] =	sst s7  }
0x10: {  	[smem:$0x3FAF] =	sst s8  }
0x11: {  	[smem:$0x3FB0] =	sst s9;
	s0 =	simm.s32 @!p0 $0x0  }
0x12: {  	s1 =	sld [smem:$0x3F96];
	s0 =	simm.s32 @p0 $0x1  }
0x13: {  	[smem:$0x3FB1] =	sst s0;
	s0 =	simm.s32 @!p1 $0x0  }
0x14: {  	s2 =	sld [smem:$0x3F95];
	s0 =	simm.s32 @p1 $0x1  }
0x15: {  	[smem:$0x3FB2] =	sst s0;
	s0 =	simm.s32 @!p2 $0x0  }
0x16: {  	s3 =	sld [smem:$0x3FDB];
	s0 =	simm.s32 @p2 $0x1  }
0x17: {  	s4 =	simm.s32 $0x1BF5;
	[smem:$0x3FB4] =	sst s0  }
0x18: {  	s0 =	sld [smem:$0x3F97];
	_ =	swait.ge [sflag:s4], $0x0  }
0x19: {  	s7 =	sld [smem:$0x3F98]  }
0x1a: {  	s8 =	sadd.s32 $0xFFFFE003, lr  }
0x1b: {  	s9 =	sadd.s32 $0xFFFFFEF7, lr;
	s5 =	simm.s32 $0xFFFFFFFF;
	p2 =	slt.u32 s8, $0xFFFFF086  }
0x1c: {  	p1 =	slt.u32 s9, $0xF7A;
	s5 =	simm.s32 @!p2 $0x0  }
0x1d: {  	s5 =	simm.s32 @p1 $0x1;
	p0 =	seq.s32 s7, s2  }
0x1e: {  	s7 =	smul.u32 @!p0 $0xF7A, s2;
	p2 =	seq.s32 @!p0 s5, $0x0  }
0x1f: {  	s9 =	smul.u32 $0xF7A, s1;
	s8 =	simm.s32 @!p0 $0x1BF5;
	p2 =	por !p2, p0  }
0x20: {  	[sflag:s8] =	ssyncset.s32 @!p0 $0xFFFFF086;
	s6 =	sadd.s32 @!p0 s3, s7;
	s7 =	simm.s32 @!p0 $0x108  }
0x21: {  	s3 =	sadd.s32 s3, s9;
	s6 =	sadd.s32 @!p0 $0x88, s6;
	s7 =	simm.s32 @p2 $0x1082  }
0x22: {  	[simem:s7], [sflag:s8] =	dma.local @!p0 [hbm:s6], $0xF7A  }
0x23: {  	s9 =	sor.u32 $0xD0000000, s2;
	s6 =	simm.s32 $0x108;
	_ =	swait.ge @!p0 [sflag:s8], $0x0  }
0x24: {  	s3 =	sadd.s32 $0x88, s3;
	s6 =	simm.s32 @!p1 $0x1082;
	[sflag:s4] =	ssyncset.s32 $0xFFFFF086  }
0x25: {  	[simem:s6], [sflag:s4] =	dma.local [hbm:s3], $0xF7A  }
0x26: {  	[smem:$0x3F98] =	sst s1;
	(tag) =	ssettag s2;
	_ =	strace s9  }
0x27: {  	s1 =	sld [smem:$0x3FA8]  }
0x28: {  	s2 =	sld [smem:$0x3FA9]  }
0x29: {  	s4 =	sld [smem:$0x3FAB]  }
0x2a: {  	p0 =	seq.s32 s5, $0x0;
	s5 =	sld [smem:$0x3FAC]  }
0x2b: {  	s6 =	sld [smem:$0x3FAD]  }
0x2c: {  	s7 =	sld [smem:$0x3FAE]  }
0x2d: {  	s3 =	simm.s32 $0x108;
	s8 =	sld [smem:$0x3FAF]  }
0x2e: {  	s3 =	simm.s32 @!p0 $0x1082;
	s9 =	sld [smem:$0x3FB0]  }
0x2f: {  	lr =	sadd.s32 s0, s3;
	s0 =	sld [smem:$0x3FA7]  }
0x30: {  	s3 =	sld [smem:$0x3FAA]  }
0x31: {  	[smem:$0x3FB3] =	sst s10  }
0x32: {  	s10 =	sld [smem:$0x3FB1];
	_ =	sdelay $0x3  }
0x33: {  	p0 =	seq.s32 s10, $0x1;
	s10 =	sld [smem:$0x3FB3];
	_ =	sdelay $0x3  }
0x34: {  	[smem:$0x3FB3] =	sst s10  }
0x35: {  	s10 =	sld [smem:$0x3FB2];
	_ =	sdelay $0x3  }
0x36: {  	p1 =	seq.s32 s10, $0x1;
	s10 =	sld [smem:$0x3FB3];
	_ =	sdelay $0x3  }
0x37: {  	[smem:$0x3FB3] =	sst s10  }
0x38: {  	s10 =	sld [smem:$0x3FB4]  }
0x39: {  	_ = 	snop;
	(pc) =	sbr.ind lr, $3  }
0x3a: {  	_ = 	snop  }
0x3b: {  	_ = 	snop  }
0x3c: {  	p2 =	seq.s32 s10, $0x1;
	s10 =	sld [smem:$0x3FB3]  }
0x3d: {  	_ =	shalt  }
0x3e: {  	_ =	shalt  }
0x3f: {  	_ =	shalt  }
0x40: {  	_ =	shalt  }
0x41: {  	_ =	shalt  }
0x42: {  	_ =	shalt  }
0x43: {  	_ =	shalt  }
0x44: {  	_ =	shalt  }
0x45: {  	_ =	shalt  }
0x46: {  	_ =	shalt  }
0x47: {  	_ =	shalt  }
0x48: {  	_ =	shalt  }
0x49: {  	_ =	shalt  }
0x4a: {  	_ =	shalt  }
0x4b: {  	_ =	shalt  }
0x4c: {  	_ =	shalt  }
0x4d: {  	_ =	shalt  }
0x4e: {  	_ =	shalt  }
0x4f: {  	_ =	shalt  }
0x50: {  	_ =	shalt  }
0x51: {  	_ =	shalt  }
0x52: {  	_ =	shalt  }
0x53: {  	_ =	shalt  }
0x54: {  	_ =	shalt  }
0x55: {  	_ =	shalt  }
0x56: {  	_ =	shalt  }
0x57: {  	_ =	shalt  }
0x58: {  	_ =	shalt  }
0x59: {  	_ =	shalt  }
0x5a: {  	_ =	shalt  }
0x5b: {  	_ =	shalt  }
0x5c: {  	_ =	shalt  }
0x5d: {  	_ =	shalt  }
0x5e: {  	_ =	shalt  }
0x5f: {  	_ =	shalt  }
0x60: {  	_ =	shalt  }
0x61: {  	_ =	shalt  }
0x62: {  	_ =	shalt  }
0x63: {  	_ =	shalt  }
0x64: {  	_ =	shalt  }
0x65: {  	_ =	shalt  }
0x66: {  	_ =	shalt  }
0x67: {  	_ =	shalt  }
0x68: {  	_ =	shalt  }
0x69: {  	_ =	shalt  }
0x6a: {  	_ =	shalt  }
0x6b: {  	_ =	shalt  }
0x6c: {  	_ =	shalt  }
0x6d: {  	_ =	shalt  }
0x6e: {  	_ =	shalt  }
0x6f: {  	_ =	shalt  }
0x70: {  	_ =	shalt  }
0x71: {  	_ =	shalt  }
0x72: {  	_ =	shalt  }
0x73: {  	_ =	shalt  }
0x74: {  	_ =	shalt  }
0x75: {  	_ =	shalt  }
0x76: {  	_ =	shalt  }
0x77: {  	_ =	shalt  }
0x78: {  	_ =	shalt  }
0x79: {  	_ =	shalt  }
0x7a: {  	_ =	shalt  }
0x7b: {  	_ =	shalt  }
0x7c: {  	_ =	shalt  }
0x7d: {  	_ =	shalt  }
0x7e: {  	_ =	shalt  }
0x7f: {  	_ =	shalt  }
0x80: {  	_ =	shalt  }
0x81: {  	_ =	shalt  }
0x82: {  	_ =	shalt  }
0x83: {  	_ =	shalt  }
0x84: {  	_ =	shalt  }
0x85: {  	_ =	shalt  }
0x86: {  	_ =	shalt  }
0x87: {  	_ =	shalt  }
.Lfunc_end0:
.L_simem_size_0:
called_computation_lowered:
.L_overlay_start_0:
0x88: {  	s2 =	sld [smem:$0x3FD9]  }
0x89: {  	s3 =	sld [smem:$0x3FFE];
	_ =	sdelay $0x1  }
0x8a: {  	s1 =	srdreg.scid  }
0x8b: {  	s0 =	sand.u32 $0x1, s1  }
0x8c: {  	s14 =	sshll.u32 s0, $0xA;
	s2 =	sadd.s32 s3, s2  }
0x8d: {  	s2 =	sadd.s32 s2, s14  }
0x8e: {  	[smem:$0x3FBF] =	sst s2  }
0x8f: {  	_ = 	snop  }
0x90: {  	s2 =	sld [smem:$0x3FD0]  }
0x91: {  	s15 =	sld [smem:$0x3FC5]  }
0x92: {  	s4 =	sld [smem:$0x3FC4]  }
0x93: {  	s6 =	simm.s32 $0xA;
	s7 =	simm.s32 $0x10;
	s5 =	sld [smem:$0x3FC3]  }
0x94: {  	[smem:s7], [sflag:s6] =	dma.local [hbm:s2], $0x1  }
0x95: {  	_ =	swait.eq [sflag:s6], $0x1  }
0x96: {  	s16 =	sld [smem:$0x12];
	[sflag:s6] =	ssyncset.done $0x0  }
0x97: {  	s17 =	sld [smem:$0x13];
	[sflag:s6] =	ssyncadd.s32 $0xFFFFFFFF  }
0x98: {  	s18 =	sld [smem:$0x14];
	(tm) =	ssettm $0x1  }
0x99: {  	s8 =	sld [smem:$0x3FFB];
	_ =	sdelay $0x3  }
0x9a: {  	_ =	strace s8  }
0x9b: {  	s8 =	sld [smem:$0x3FFC];
	_ =	sdelay $0x3  }
0x9c: {  	_ =	strace s8  }
0x9d: {  	s8 =	sld [smem:$0x3FFD];
	_ =	sdelay $0x3  }
0x9e: {  	_ =	strace s8  }
0x9f: {  	_ =	strace $0x8FFFFFFF  }
0xa0: {  	s19 =	sld [smem:$0x3FDB];
	_ =	sdelay $0x1  }
0xa1: {  	s9 =	simm.s32 $_scs_section_size  }
0xa2: {  	s10 =	simm.s32 $_size__tile_overlayer_lowered;
	s11 =	simm.s32 $_tile_overlayer_lowered  }
0xa3: {  	s22 =	simm.s32 $0x1BFF;
	s21 =	sshll.u32 s11, $0x1;
	s8 =	sadd.s32 s9, s19  }
0xa4: {  	s12 =	simm.s32 $0x0;
	s20 =	sshll.u32 s10, $0x1;
	s10 =	sadd.s32 s21, s8  }
0xa5: {  	[timem:s12], [sflag:s22] =	dma.local [hbm:s10], s20  }
0xa6: {  	_ =	swait.ge [sflag:s22], s20  }
0xa7: {  	s9 =	ssub.s32 $0x0, s20;
	[sflag:s22] =	ssyncset.done $0x0  }
0xa8: {  	[sflag:s22] =	ssyncadd.s32 s9;
	_ =	sdelay $0x1  }
0xa9: {  	s23 =	simm.s32 $0x1B8B  }
0xaa: {  	_ =	swait.ge [sflag:s23], $0x1  }
0xab: {  	[sflag:s23] =	ssyncset.done $0x0  }
0xac: {  	s25 =	simm.s32 $0x1B8E;
	s24 =	sld [smem:$0x3FFE];
	[sflag:s23] =	ssyncadd.s32 $0xFFFFFFFF  }
0xad: {  	s26 =	simm.s32 $execute0_lowered;
	[smem:$0x3FD2] =	sst s25  }
0xae: {  	s10 =	sshll.u32 s26, $0x1;
	_ =	strace $0x80000046;
	[dreg:$0x1] =	wrdreg $0xFFFFFFFF  }
0xaf: {  	s28 =	simm.s32 $_size_execute0_lowered;
	s8 =	sadd.s32 s8, s10;
	[dreg:$0x0] =	wrdreg $0x0  }
0xb0: {  	s10 =	sshll.u32 s28, $0x1;
	[dreg:$0x2] =	wrdreg s8  }
0xb1: {  	[dreg:$0x3] =	wrdreg s10  }
0xb2: {  	[dreg:$0x4] =	wrdreg $0xC0  }
0xb3: {  	_ =	task [dreg:s12], $0x5FFFF  }
0xb4: {  	[dreg:$0x1] =	wrdreg $0xFFFFFFFF  }
0xb5: {  	[dreg:$0x0] =	wrdreg $0x60  }
0xb6: {  	[dreg:$0x2] =	wrdreg s15  }
0xb7: {  	[dreg:$0x3] =	wrdreg s4  }
0xb8: {  	[dreg:$0x4] =	wrdreg s5  }
0xb9: {  	[dreg:$0x5] =	wrdreg s24  }
0xba: {  	[dreg:$0x6] =	wrdreg s16  }
0xbb: {  	[dreg:$0x7] =	wrdreg s17  }
0xbc: {  	[dreg:$0x8] =	wrdreg s18  }
0xbd: {  	[dreg:$0x9] =	wrdreg $0x9  }
0xbe: {  	_ =	task.clear_ibuf [dreg:s12], $0xAFFFF;
	_ =	strace $0x90000046  }
0xbf: {  	s29 =	simm.s32 $0x9;
	_ =	strace $0x80000048  }
0xc0: {  	_ =	swait.ge [sflag:s29], $0x1  }
0xc1: {  	[sflag:s29] =	ssyncadd.s32 $0xFFFFFFFF  }
0xc2: {  	_ =	strace $0x90000048  }
0xc3: {  	_ =	sfence  }
0xc4: {  	s30 =	sld [smem:$0x0];
	_ =	sdelay $0x2  }
0xc5: {  	s31 =	sshll.u32 s1, $0xD;
	s1 =	sshrl.u32 s1, $0x2  }
0xc6: {  	s3 =	sand.u32 $0x4000, s31;
	s1 =	sadd.s32 s1, s30  }
0xc7: {  	s0 =	sor.u32 s3, s0;
	s1 =	sshll.u32 s1, $0x11  }
0xc8: {  	s0 =	sor.u32 s1, s0  }
0xc9: {  	s0 =	sadd.s32 $0x8F2B, s0  }
0xca: {  	[sflag:s0] =	ssyncadd.remote.s32 $0x1  }
0xcb: {  	_ =	sfence.sel $0xFFFF  }
0xcc: {  	[dreg:$0x0] =	wrdreg $0xFFFFFFFF;
	(pc) =	sbr.abs _section_cstart, $3  }
0xcd: {  	[dreg:$0x1] =	wrdreg $0xFFFFFFFF  }
0xce: {  	_ =	task.clear_ibuf [dreg:s12], $0x2FFFF;
	_ =	strace $0x9FFFFFFF  }
0xcf: {  	(tm) =	ssettm $0x7FFFFFFF  }
tec
execute0_lowered:
.L_overlay_start_1:
0x0: {  	(tag) =	ssettag $0x1  }
0x1: {  	s0 =	rddreg [dreg:$0x0]  }
0x2: {  	s1 =	rddreg [dreg:$0x1]  }
0x3: {  	s2 =	rddreg [dreg:$0x3]  }
0x4: {  	s3 =	rddreg [dreg:$0x4]  }
0x5: {  	s5 =	rddreg [dreg:$0x5]  }
0x6: {  	s6 =	rddreg [dreg:$0x6]  }
0x7: {  	s7 =	srdreg.scid;
	s4 =	simm.s32 $0x0;
	s8 =	stileid.u32  }
0x8: {  	s30 =	simm.s32 $0x2;
	s31 =	simm.s32 $0x80;
	s7 =	sand.u32 $0x1, s7  }
0x9: {  	[smem:$0x7FF] =	sst s4;
	s8 =	sshll.u32 s8, $0x5;
	s17 =	sadd.s32 $0x1800, s2  }
0xa: {  	s20 =	sadd.s32 $0x100, s0;
	s10 =	sadd.s32 $0x400, s0;
	s11 =	sadd.s32 $0x500, s0  }
0xb: {  	s12 =	sadd.s32 $0x600, s0;
	s13 =	sadd.s32 $0x700, s0;
	s14 =	sadd.s32 $0x800, s0  }
0xc: {  	s15 =	sadd.s32 $0x900, s0;
	s16 =	sadd.s32 $0xA00, s0;
	s21 =	sadd.s32 $0x1810, s2  }
0xd: {  	s24 =	sadd.s32 $0x1820, s2;
	_ =	strace $0x80000047;
	[dreg:$0x8] =	wrdreg s17  }
0xe: {  	s25 =	sadd.s32 $0x1830, s2;
	s28 =	sadd.s32 $0xE00, s0;
	[dreg:$0xa] =	wrdreg s20  }
0xf: {  	s29 =	sadd.s32 $0xF00, s0;
	s2 =	simm.s32 $0x200;
	[dreg:$0xb] =	wrdreg s21  }
0x10: {  	s9 =	sshll.u32 s7, $0x4;
	s7 =	ssub.s32 $0x2, s7;
	[dreg:$0xf] =	wrdreg s24  }
0x11: {  	s17 =	sadd.s32 $0xB00, s0;
	[dreg:$0x10] =	wrdreg s25;
	s25 =	sadd.s32 $0xC00, s0  }
0x12: {  	s20 =	simm.s32 $0x0;
	s18 =	sor.u32 s9, s8;
	s19 =	sshrl.u32 s7, $0x1  }
0x13: {  	s8 =	sadd.s32 $0x200, s0;
	s9 =	sshrl.u32 s18, $0x3;
	s19 =	ssub.s32 s7, s19  }
0x14: {  	s22 =	sshll.u32 s18, $0x6;
	s1 =	sadd.s32 s1, s9;
	s9 =	sadd.s32 $0x300, s0  }
0x15: {  	s3 =	sadd.s32 s3, s22;
	s23 =	sadd.s32 s5, s22;
	[dreg:$0x9] =	wrdreg s1  }
0x16: {  	s26 =	smax.u32 s19, $0x1;
	s5 =	simm.s32 $0x14A80;
	[dreg:$0xc] =	wrdreg s3  }
0x17: {  	v0 =	vlaneseq.u32;
	vm0 =	vmmov $0xffff;
	v5 =	vimm.f32 $-1.000000000e+00;
	s19 =	simm.s32 $0x10280;
	[dreg:$0xd] =	wrdreg s23;
	s1 =	sadd.s32 s6, s22  }
0x18: {  	v6 =	vimm.f32 $1.000000000e+00;
	v3 =	vshrl.u32 v0, $0x3;
	v2 =	vand.u32 $0x7, v0;
	[dreg:$0x11] =	wrdreg s26;
	s26 =	sadd.s32 $0xD00, s0;
	s3 =	simm.s32 $0x14280  }
0x19: {  	v4 =	vor.u32 $0x8, v0;
	v3 =	vmul.u32 $0x8, v3;
	v1 =	vmov s18;
	s6 =	simm.s32 $0x12280;
	[dreg:$0xe] =	wrdreg s1;
	s1 =	simm.s32 $0x280  }
.LBB2_1:
0x1a: {  	s0 =	rddreg [dreg:$0x9]  }
0x1b: {  	[tilespmem:s4], [sflag:$0x2] =	stream.linear.gather [hbm4b:s0+s4], $0x10, $0x38;
	[tilespmem:$0x15280] =	vst v63  }
0x1c: {  	_ =	swait.ge [sflag:s30], $0x10  }
0x1d: {  	[sflag:s30] =	ssyncset.done $0x0  }
0x1e: {  	[sflag:s30] =	ssyncadd.s32 $0xFFFFFFF0  }
0x1f: {  	s23 =	rddreg [dreg:$0x2]  }
0x20: {  	[tilespmem:s31], [sflag:$0x2] =	stream.linear.gather [hbm4b:s23+s4], $0x200, $0x38;
	[tilespmem:$0x15280] =	vst v63  }
0x21: {  	_ =	swait.ge [sflag:s30], $0x200  }
0x22: {  	[sflag:s30] =	ssyncset.done $0x0  }
0x23: {  	[sflag:s30] =	ssyncadd.s32 $0xFFFFFE00  }
0x24: {  	v7 =	vld [tilespmem:$0x0];
	_ =	sdelay $0x4  }
0x25: {  	v8 =	vshll.u32 v7, $0x5  }
0x26: {  	v7 =	vand.u32 $0x7, v7;
	v8 =	vand.u32 $0xFFFFFF00, v8  }
0x27: {  	v7 =	vor.u32 v7, v8  }
0x28: {  	v8 =	vperm.xlane v7, v2;
	_ =	sdelay $0x1  }
0x29: {  	v8 =	vadd.s32 v3, v8;
	_ =	sdelay $0x3  }
0x2a: {  	s0 =	rddreg [dreg:$0x0]  }
0x2b: {  	[tilespmem:s1], [sflag:$0x1] =	stream.indirect_vreg.gather [hbm4b:s0+s4], $0x80, v8, vm0, $0xb8;
	[tilespmem:$0x15280] =	vst v63  }
0x2c: {  	s18 =	simm.s32 $0xA80;
	s7 =	rddreg [dreg:$0xa]  }
0x2d: {  	[tilespmem:s18], [sflag:$0x1] =	stream.indirect_vreg.gather [hbm4b:s7+s4], $0x80, v8, vm0, $0xb8;
	[tilespmem:$0x15280] =	vst v63  }
0x2e: {  	s24 =	simm.s32 $0x1280  }
0x2f: {  	[tilespmem:s24], [sflag:$0x1] =	stream.indirect_vreg.gather [hbm4b:s8+s4], $0x80, v8, vm0, $0xb8;
	[tilespmem:$0x15280] =	vst v63  }
0x30: {  	s21 =	simm.s32 $0x1A80  }
0x31: {  	[tilespmem:s21], [sflag:$0x1] =	stream.indirect_vreg.gather [hbm4b:s9+s4], $0x80, v8, vm0, $0xb8;
	[tilespmem:$0x15280] =	vst v63  }
0x32: {  	s22 =	simm.s32 $0x2280  }
0x33: {  	[tilespmem:s22], [sflag:$0x1] =	stream.indirect_vreg.gather [hbm4b:s10+s4], $0x80, v8, vm0, $0xb8;
	[tilespmem:$0x15280] =	vst v63  }
0x34: {  	s23 =	simm.s32 $0x2A80  }
0x35: {  	[tilespmem:s23], [sflag:$0x1] =	stream.indirect_vreg.gather [hbm4b:s11+s4], $0x80, v8, vm0, $0xb8;
	[tilespmem:$0x15280] =	vst v63  }
0x36: {  	s24 =	simm.s32 $0x3280  }
0x37: {  	[tilespmem:s24], [sflag:$0x1] =	stream.indirect_vreg.gather [hbm4b:s12+s4], $0x80, v8, vm0, $0xb8;
	[tilespmem:$0x15280] =	vst v63  }
0x38: {  	s21 =	simm.s32 $0x3A80  }
0x39: {  	[tilespmem:s21], [sflag:$0x1] =	stream.indirect_vreg.gather [hbm4b:s13+s4], $0x80, v8, vm0, $0xb8;
	[tilespmem:$0x15280] =	vst v63  }
0x3a: {  	s22 =	simm.s32 $0x4280  }
0x3b: {  	[tilespmem:s22], [sflag:$0x1] =	stream.indirect_vreg.gather [hbm4b:s14+s4], $0x80, v8, vm0, $0xb8;
	[tilespmem:$0x15280] =	vst v63  }
0x3c: {  	s23 =	simm.s32 $0x4A80  }
0x3d: {  	[tilespmem:s23], [sflag:$0x1] =	stream.indirect_vreg.gather [hbm4b:s15+s4], $0x80, v8, vm0, $0xb8;
	[tilespmem:$0x15280] =	vst v63  }
0x3e: {  	s24 =	simm.s32 $0x5280  }
0x3f: {  	[tilespmem:s24], [sflag:$0x1] =	stream.indirect_vreg.gather [hbm4b:s16+s4], $0x80, v8, vm0, $0xb8;
	[tilespmem:$0x15280] =	vst v63  }
0x40: {  	s21 =	simm.s32 $0x5A80  }
0x41: {  	[tilespmem:s21], [sflag:$0x1] =	stream.indirect_vreg.gather [hbm4b:s17+s4], $0x80, v8, vm0, $0xb8;
	[tilespmem:$0x15280] =	vst v63  }
0x42: {  	s22 =	simm.s32 $0x6280  }
0x43: {  	[tilespmem:s22], [sflag:$0x1] =	stream.indirect_vreg.gather [hbm4b:s25+s4], $0x80, v8, vm0, $0xb8;
	[tilespmem:$0x15280] =	vst v63  }
0x44: {  	v7 =	vperm.xlane v7, v4;
	s23 =	simm.s32 $0x6A80  }
0x45: {  	[tilespmem:s23], [sflag:$0x1] =	stream.indirect_vreg.gather [hbm4b:s26+s4], $0x80, v8, vm0, $0xb8;
	[tilespmem:$0x15280] =	vst v63  }
0x46: {  	v7 =	vadd.s32 v3, v7;
	s24 =	simm.s32 $0x7280  }
0x47: {  	[tilespmem:s24], [sflag:$0x1] =	stream.indirect_vreg.gather [hbm4b:s28+s4], $0x80, v8, vm0, $0xb8;
	[tilespmem:$0x15280] =	vst v63  }
0x48: {  	s21 =	simm.s32 $0x7A80  }
0x49: {  	[tilespmem:s21], [sflag:$0x1] =	stream.indirect_vreg.gather [hbm4b:s29+s4], $0x80, v8, vm0, $0xb8;
	[tilespmem:$0x15280] =	vst v63  }
0x4a: {  	s22 =	simm.s32 $0x8280  }
0x4b: {  	[tilespmem:s22], [sflag:$0x1] =	stream.indirect_vreg.gather [hbm4b:s0+s4], $0x80, v7, vm0, $0xb8;
	[tilespmem:$0x15280] =	vst v63  }
0x4c: {  	s23 =	simm.s32 $0x8A80  }
0x4d: {  	[tilespmem:s23], [sflag:$0x1] =	stream.indirect_vreg.gather [hbm4b:s7+s4], $0x80, v7, vm0, $0xb8;
	[tilespmem:$0x15280] =	vst v63  }
0x4e: {  	s24 =	simm.s32 $0x9280  }
0x4f: {  	[tilespmem:s24], [sflag:$0x1] =	stream.indirect_vreg.gather [hbm4b:s8+s4], $0x80, v7, vm0, $0xb8;
	[tilespmem:$0x15280] =	vst v63  }
0x50: {  	s7 =	simm.s32 $0x9A80  }
0x51: {  	[tilespmem:s7], [sflag:$0x1] =	stream.indirect_vreg.gather [hbm4b:s9+s4], $0x80, v7, vm0, $0xb8;
	[tilespmem:$0x15280] =	vst v63  }
0x52: {  	s18 =	simm.s32 $0xA280  }
0x53: {  	[tilespmem:s18], [sflag:$0x1] =	stream.indirect_vreg.gather [hbm4b:s10+s4], $0x80, v7, vm0, $0xb8;
	[tilespmem:$0x15280] =	vst v63  }
0x54: {  	s21 =	simm.s32 $0xAA80  }
0x55: {  	[tilespmem:s21], [sflag:$0x1] =	stream.indirect_vreg.gather [hbm4b:s11+s4], $0x80, v7, vm0, $0xb8;
	[tilespmem:$0x15280] =	vst v63  }
0x56: {  	s22 =	simm.s32 $0xB280  }
0x57: {  	[tilespmem:s22], [sflag:$0x1] =	stream.indirect_vreg.gather [hbm4b:s12+s4], $0x80, v7, vm0, $0xb8;
	[tilespmem:$0x15280] =	vst v63  }
0x58: {  	s23 =	simm.s32 $0xBA80  }
0x59: {  	[tilespmem:s23], [sflag:$0x1] =	stream.indirect_vreg.gather [hbm4b:s13+s4], $0x80, v7, vm0, $0xb8;
	[tilespmem:$0x15280] =	vst v63  }
0x5a: {  	s24 =	simm.s32 $0xC280  }
0x5b: {  	[tilespmem:s24], [sflag:$0x1] =	stream.indirect_vreg.gather [hbm4b:s14+s4], $0x80, v7, vm0, $0xb8;
	[tilespmem:$0x15280] =	vst v63  }
0x5c: {  	s7 =	simm.s32 $0xCA80  }
0x5d: {  	[tilespmem:s7], [sflag:$0x1] =	stream.indirect_vreg.gather [hbm4b:s15+s4], $0x80, v7, vm0, $0xb8;
	[tilespmem:$0x15280] =	vst v63  }
0x5e: {  	s18 =	simm.s32 $0xD280  }
0x5f: {  	[tilespmem:s18], [sflag:$0x1] =	stream.indirect_vreg.gather [hbm4b:s16+s4], $0x80, v7, vm0, $0xb8;
	[tilespmem:$0x15280] =	vst v63  }
0x60: {  	s21 =	simm.s32 $0xDA80  }
0x61: {  	[tilespmem:s21], [sflag:$0x1] =	stream.indirect_vreg.gather [hbm4b:s17+s4], $0x80, v7, vm0, $0xb8;
	[tilespmem:$0x15280] =	vst v63  }
0x62: {  	s22 =	simm.s32 $0xE280  }
0x63: {  	[tilespmem:s22], [sflag:$0x1] =	stream.indirect_vreg.gather [hbm4b:s25+s4], $0x80, v7, vm0, $0xb8;
	[tilespmem:$0x15280] =	vst v63  }
0x64: {  	s23 =	simm.s32 $0xEA80  }
0x65: {  	[tilespmem:s23], [sflag:$0x1] =	stream.indirect_vreg.gather [hbm4b:s26+s4], $0x80, v7, vm0, $0xb8;
	[tilespmem:$0x15280] =	vst v63  }
0x66: {  	s24 =	simm.s32 $0xF280;
	s21 =	simm.s32 $0x0;
	s22 =	sand.u32 $0x1C0, s4  }
0x67: {  	v8 =	vmov s21;
	[tilespmem:s24], [sflag:$0x1] =	stream.indirect_vreg.gather [hbm4b:s28+s4], $0x80, v7, vm0, $0xb8;
	[tilespmem:$0x15280] =	vst v63  }
0x68: {  	s18 =	simm.s32 $0xFA80;
	v13 =	vshll.u32 v8, $0x9;
	v8 =	vshll.u32 v8, $0x7;
	s0 =	sor.u32 $0x30, s22;
	v9 =	vmov s22;
	s7 =	sor.u32 $0x10, s22  }
0x69: {  	v10 =	vor.u32 s0, v0;
	v11 =	vmov s0;
	v9 =	vshll.u32 v9, $0x3;
	[tilespmem:s18], [sflag:$0x1] =	stream.indirect_vreg.gather [hbm4b:s29+s4], $0x80, v7, vm0, $0xb8;
	[tilespmem:$0x15280] =	vst v63  }
0x6a: {  	v12 =	vmov s7;
	s23 =	rddreg [dreg:$0x8];
	v9 =	vand.u32 $0xC00, v9;
	v11 =	vshll.u32 v11, $0x3  }
0x6b: {  	v12 =	vshll.u32 v12, $0x3;
	v15 =	vand.u32 $0x7F, v10;
	v11 =	vand.u32 $0xC00, v11;
	[tilespmem:s3], [sflag:$0x2] =	stream.strided.gather [hbm4b:s23+s31], $0x800, s2, s31, $0x38;
	[tilespmem:$0x15280] =	vst v63  }
0x6c: {  	v12 =	vand.u32 $0xC00, v12;
	v11 =	vor.u32 v11, v15;
	v7 =	vor.u32 s22, v0;
	s22 =	sor.u32 $0x20, s22;
	_ =	swait.ge [sflag:s30], $0x800  }
0x6d: {  	v14 =	vmov s22;
	v10 =	vand.u32 $0x4F, v7;
	v7 =	vand.u32 $0x1000, v13;
	[sflag:s30] =	ssyncset.done $0x0  }
0x6e: {  	v14 =	vshll.u32 v14, $0x3;
	v9 =	vor.u32 v9, v10;
	v10 =	vor.u32 s7, v0;
	s24 =	rddreg [dreg:$0xb];
	[sflag:s30] =	ssyncadd.s32 $0xFFFFF800  }
0x6f: {  	v11 =	vor.u32 v7, v11;
	v13 =	vand.u32 $0xC00, v14;
	v10 =	vand.u32 $0x5F, v10;
	[tilespmem:s5], [sflag:$0x2] =	stream.strided.gather [hbm4b:s24+s31], $0x800, s2, s31, $0x38;
	[tilespmem:$0x15280] =	vst v63  }
0x70: {  	v14 =	vor.u32 s22, v0;
	v9 =	vor.u32 v7, v9;
	v12 =	vor.u32 v12, v10;
	_ =	swait.ge [sflag:s30], $0x800  }
0x71: {  	v10 =	vand.u32 $0x380, v8;
	v8 =	vor.u32 v7, v12;
	v12 =	vand.u32 $0x6F, v14;
	[sflag:s30] =	ssyncset.done $0x0  }
0x72: {  	s21 =	simm.s32 $0x40;
	s22 =	simm.s32 $0x1;
	v9 =	vor.u32 v10, v9;
	v8 =	vor.u32 v10, v8;
	v12 =	vor.u32 v13, v12;
	[sflag:s30] =	ssyncadd.s32 $0xFFFFF800  }
.LBB2_2:
0x73: {  	s0 =	smov.u32 s22  }
0x74: {  	s23 =	sshrl.u32 s22, $0x3;
	s24 =	sand.u32 $0x1C0, s21;
	v7 =	vor.u32 v7, v12;
	v11 =	vor.u32 v10, v11;
	s0 =	sadd.s32 $0x1, s22  }
0x75: {  	v12 =	vmov s23;
	v13 =	vmov s24;
	v14 =	vor.u32 s24, v0;
	s23 =	sor.u32 $0x10, s24;
	s18 =	sor.u32 $0x20, s24;
	s24 =	sor.u32 $0x30, s24  }
0x76: {  	p0 =	sne.s32 s22, $0x7F;
	v10 =	vor.u32 v10, v7;
	v13 =	vshll.u32 v13, $0x3;
	v15 =	vmov s23  }
0x77: {  	v7 =	vshll.u32 v12, $0x9;
	v16 =	vor.u32 s24, v0;
	v13 =	vand.u32 $0xC00, v13  }
0x78: {  	v17 =	vmov s18;
	v15 =	vshll.u32 v15, $0x3;
	v16 =	vand.u32 $0x7F, v16  }
0x79: {  	v14 =	vand.u32 $0x4F, v14;
	v18 =	vmov s24;
	v17 =	vshll.u32 v17, $0x3;
	[tilespmem:v9+s6+$0x0] =	vst.idx.msk $0xffff, v5  }
0x7a: {  	v7 =	vand.u32 $0x1000, v7;
	v9 =	vshll.u32 v12, $0x7;
	v12 =	vand.u32 $0xC00, v17;
	[tilespmem:v8+s6+$0x0] =	vst.idx.msk $0xffff, v5  }
0x7b: {  	v8 =	vor.u32 v13, v14;
	v13 =	vor.u32 s23, v0;
	v14 =	vand.u32 $0xC00, v15;
	[tilespmem:v10+s6+$0x0] =	vst.idx.msk $0xffff, v5  }
.Ltmp0:
0x7c: {  	v15 =	vshll.u32 v18, $0x3;
	v10 =	vand.u32 $0x5F, v13;
	v13 =	vor.u32 s18, v0;
	[tilespmem:v11+s6+$0x0] =	vst.idx.msk $0xffff, v5;
	(pc) =	sbr.rel @p0 .LBB2_2-.Ltmp0, $4  }
0x7d: {  	v8 =	vor.u32 v7, v8;
	v11 =	vor.u32 v14, v10;
	v14 =	vand.u32 $0xC00, v15  }
0x7e: {  	v10 =	vand.u32 $0x380, v9;
	v11 =	vor.u32 v7, v11;
	v14 =	vor.u32 v14, v16  }
0x7f: {  	v9 =	vor.u32 v10, v8;
	v8 =	vor.u32 v10, v11;
	v11 =	vand.u32 $0x6F, v13  }
0x80: {  	s21 =	sadd.s32 $0x40, s21;
	s22 =	smov.u32 s0;
	v12 =	vor.u32 v12, v11;
	v11 =	vor.u32 v7, v14  }
0x81: {  	v7 =	vor.u32 v7, v12  }
0x82: {  	v7 =	vor.u32 v10, v7  }
0x83: {  	v63 =	vor.u32 v10, v11;
	_ =	sdelay $0x1  }
0x84: {  	[tilespmem:v9+s6+$0x0] =	vst.idx.msk $0xffff, v5  }
0x85: {  	[tilespmem:v8+s6+$0x0] =	vst.idx.msk $0xffff, v5  }
0x86: {  	[tilespmem:v7+s6+$0x0] =	vst.idx.msk $0xffff, v5  }
0x87: {  	s21 =	simm.s32 $0x0;
	[tilespmem:v63+s6+$0x0] =	vst.idx.msk $0xffff, v5  }
.LBB2_4:
0x88: {  	v7 =	vor.u32 s21, v0;
	_ =	sdelay $0x4  }
0x89: {  	v8 =	vld.idx.msk [tilespmem:v7+s3+$0x0], $0xffff;
	_ =	sdelay $0x3  }
0x8a: {  	v7 =	vld.idx.msk [tilespmem:v7+s5+$0x0], $0xffff  }
0x8b: {  	v8 =	vsub.s32 v8, v1  }
0x8c: {  	vm1 =	vgt.s32 v8, $0x0  }
0x8d: {  	v9 =	vnsel vm1, $0x0, v8  }
0x8e: {  	v9 =	vmin.u32 v9, $0xF  }
0x8f: {  	v11 =	vshll.u32 v7, $0x3;
	v10 =	vshll.u32 v9, $0x9  }
0x90: {  	v11 =	vand.u32 $0xFFFFFC00, v11;
	v9 =	vshll.u32 v9, $0x7;
	v10 =	vand.u32 $0x1000, v10  }
0x91: {  	v9 =	vand.u32 $0x380, v9;
	v10 =	vadd.s32 v11, v10  }
0x92: {  	v7 =	vand.u32 $0x7F, v7;
	vm1 =	vlt.u32 v8, $0x10;
	v8 =	vor.u32 v9, v10  }
0x93: {  	s0 =	sadd.s32 $0x10, s21;
	v7 =	vor.u32 v7, v8  }
0x94: {  	v8 =	vor.u32 s0, v0;
	_ =	sdelay $0x3  }
0x95: {  	[tilespmem:v7+s6+$0x0] =	vst.idx.msk vm1, v6  }
0x96: {  	v7 =	vld.idx.msk [tilespmem:v8+s3+$0x0], $0xffff;
	_ =	sdelay $0x3  }
0x97: {  	v8 =	vld.idx.msk [tilespmem:v8+s5+$0x0], $0xffff  }
0x98: {  	v7 =	vsub.s32 v7, v1  }
0x99: {  	vm1 =	vgt.s32 v7, $0x0  }
0x9a: {  	v55 =	vnsel vm1, $0x0, v7  }
0x9b: {  	v9 =	vmin.u32 v55, $0xF  }
0x9c: {  	v57 =	vshll.u32 v8, $0x3;
	v56 =	vshll.u32 v9, $0x9  }
0x9d: {  	v11 =	vand.u32 $0xFFFFFC00, v57;
	v9 =	vshll.u32 v9, $0x7;
	v10 =	vand.u32 $0x1000, v56  }
0x9e: {  	v9 =	vand.u32 $0x380, v9;
	v10 =	vadd.s32 v11, v10  }
0x9f: {  	vm1 =	vlt.u32 v7, $0x10;
	v7 =	vand.u32 $0x7F, v8;
	v8 =	vor.u32 v9, v10  }
0xa0: {  	s23 =	sadd.s32 $0x20, s21;
	v7 =	vor.u32 v7, v8  }
0xa1: {  	v8 =	vor.u32 s23, v0;
	_ =	sdelay $0x3  }
0xa2: {  	[tilespmem:v7+s6+$0x0] =	vst.idx.msk vm1, v6  }
0xa3: {  	v7 =	vld.idx.msk [tilespmem:v8+s3+$0x0], $0xffff;
	_ =	sdelay $0x3  }
0xa4: {  	v8 =	vld.idx.msk [tilespmem:v8+s5+$0x0], $0xffff  }
0xa5: {  	v7 =	vsub.s32 v7, v1  }
0xa6: {  	vm1 =	vgt.s32 v7, $0x0  }
0xa7: {  	v58 =	vnsel vm1, $0x0, v7  }
0xa8: {  	v9 =	vmin.u32 v58, $0xF  }
0xa9: {  	v60 =	vshll.u32 v8, $0x3;
	v59 =	vshll.u32 v9, $0x9  }
0xaa: {  	v11 =	vand.u32 $0xFFFFFC00, v60;
	v9 =	vshll.u32 v9, $0x7;
	v10 =	vand.u32 $0x1000, v59  }
0xab: {  	v9 =	vand.u32 $0x380, v9;
	v10 =	vadd.s32 v11, v10  }
0xac: {  	vm1 =	vlt.u32 v7, $0x10;
	v7 =	vand.u32 $0x7F, v8;
	v8 =	vor.u32 v9, v10  }
0xad: {  	s24 =	sadd.s32 $0x30, s21;
	v7 =	vor.u32 v7, v8  }
0xae: {  	v8 =	vor.u32 s24, v0;
	_ =	sdelay $0x3  }
0xaf: {  	[tilespmem:v7+s6+$0x0] =	vst.idx.msk vm1, v6  }
0xb0: {  	v7 =	vld.idx.msk [tilespmem:v8+s3+$0x0], $0xffff;
	_ =	sdelay $0x3  }
0xb1: {  	v8 =	vld.idx.msk [tilespmem:v8+s5+$0x0], $0xffff  }
0xb2: {  	v7 =	vsub.s32 v7, v1  }
0xb3: {  	vm1 =	vgt.s32 v7, $0x0  }
0xb4: {  	v61 =	vnsel vm1, $0x0, v7  }
0xb5: {  	v9 =	vmin.u32 v61, $0xF  }
0xb6: {  	v63 =	vshll.u32 v8, $0x3;
	v62 =	vshll.u32 v9, $0x9  }
0xb7: {  	v11 =	vand.u32 $0xFFFFFC00, v63;
	v9 =	vshll.u32 v9, $0x7;
	v10 =	vand.u32 $0x1000, v62  }
0xb8: {  	v9 =	vand.u32 $0x380, v9;
	v10 =	vadd.s32 v11, v10  }
0xb9: {  	vm1 =	vlt.u32 v7, $0x10;
	v7 =	vand.u32 $0x7F, v8;
	v8 =	vor.u32 v9, v10  }
0xba: {  	p0 =	sne.s32 s21, $0x7C0;
	v7 =	vor.u32 v7, v8  }
.Ltmp1:
0xbb: {  	_ = 	snop;
	(pc) =	sbr.rel @p0 .LBB2_4-.Ltmp1, $2  }
0xbc: {  	_ =	sdelay $0x2  }
0xbd: {  	s21 =	sadd.s32 $0x40, s21;
	[tilespmem:v7+s6+$0x0] =	vst.idx.msk vm1, v6  }
0xbe: {  	s21 =	simm.s32 $0x0;
	s0 =	rddreg [dreg:$0xc];
	s18 =	simm.s32 $0x0  }
0xbf: {  	[hbm4b:s0+s21] =	stream.linear.scatter [tilespmem:s6], [sflag:$0x2], $0x2000, $0x38;
	[tilespmem:$0x15280] =	vst v63  }
0xc0: {  	s7 =	sand.u32 $0x1C0, s21;
	v8 =	vmov s18  }
0xc1: {  	v7 =	vmov s7;
	_ =	swait.ge [sflag:s30], $0x2000;
	v9 =	vor.u32 s7, v0;
	s23 =	sor.u32 $0x10, s7;
	v11 =	vshll.u32 v8, $0x9  }
0xc2: {  	s22 =	sor.u32 $0x20, s7;
	s0 =	sor.u32 $0x30, s7;
	v8 =	vshll.u32 v8, $0x7;
	v7 =	vshll.u32 v7, $0x3;
	[sflag:s30] =	ssyncset.done $0x0;
	v10 =	vmov s23  }
0xc3: {  	v13 =	vmov s22;
	s7 =	rddreg [dreg:$0xf];
	v9 =	vand.u32 $0x4F, v9;
	v15 =	vmov s0;
	[sflag:s30] =	ssyncadd.s32 $0xFFFFE000  }
0xc4: {  	v12 =	vand.u32 $0xC00, v7;
	v7 =	vor.u32 s0, v0;
	v10 =	vshll.u32 v10, $0x3;
	[tilespmem:s3], [sflag:$0x2] =	stream.strided.gather [hbm4b:s7+s31], $0x800, s2, s31, $0x38;
	[tilespmem:$0x15280] =	vst v63  }
0xc5: {  	v13 =	vshll.u32 v13, $0x3;
	v15 =	vshll.u32 v15, $0x3;
	v14 =	vand.u32 $0x7F, v7;
	_ =	swait.ge [sflag:s30], $0x800  }
0xc6: {  	v7 =	vand.u32 $0x1000, v11;
	v11 =	vand.u32 $0xC00, v13;
	v9 =	vor.u32 v12, v9;
	[sflag:s30] =	ssyncset.done $0x0  }
0xc7: {  	v12 =	vor.u32 s23, v0;
	v10 =	vand.u32 $0xC00, v10;
	v13 =	vor.u32 s22, v0;
	s24 =	rddreg [dreg:$0x10];
	[sflag:s30] =	ssyncadd.s32 $0xFFFFF800  }
0xc8: {  	v15 =	vand.u32 $0xC00, v15;
	v12 =	vand.u32 $0x5F, v12;
	v9 =	vor.u32 v7, v9;
	[tilespmem:s5], [sflag:$0x2] =	stream.strided.gather [hbm4b:s24+s31], $0x800, s2, s31, $0x38;
	[tilespmem:$0x15280] =	vst v63  }
0xc9: {  	v14 =	vor.u32 v15, v14;
	v12 =	vor.u32 v10, v12;
	v10 =	vand.u32 $0x380, v8;
	_ =	swait.ge [sflag:s30], $0x800  }
0xca: {  	v8 =	vor.u32 v7, v12;
	v9 =	vor.u32 v10, v9;
	v12 =	vand.u32 $0x6F, v13;
	[sflag:s30] =	ssyncset.done $0x0  }
0xcb: {  	s23 =	simm.s32 $0x1;
	s22 =	simm.s32 $0x40;
	v8 =	vor.u32 v10, v8;
	v12 =	vor.u32 v11, v12;
	v11 =	vor.u32 v7, v14;
	[sflag:s30] =	ssyncadd.s32 $0xFFFFF800  }
.LBB2_6:
0xcc: {  	s24 =	smov.u32 s23  }
0xcd: {  	s0 =	sshrl.u32 s23, $0x3;
	s18 =	sand.u32 $0x1C0, s22;
	v7 =	vor.u32 v7, v12;
	v11 =	vor.u32 v10, v11;
	s24 =	sadd.s32 $0x1, s23  }
0xce: {  	v12 =	vmov s0;
	v13 =	vmov s18;
	v14 =	vor.u32 s18, v0;
	s0 =	sor.u32 $0x10, s18;
	s7 =	sor.u32 $0x20, s18;
	s18 =	sor.u32 $0x30, s18  }
0xcf: {  	p0 =	sne.s32 s23, $0x7F;
	v10 =	vor.u32 v10, v7;
	v13 =	vshll.u32 v13, $0x3;
	v15 =	vmov s0  }
0xd0: {  	v7 =	vshll.u32 v12, $0x9;
	v16 =	vor.u32 s18, v0;
	v13 =	vand.u32 $0xC00, v13  }
0xd1: {  	v17 =	vmov s7;
	v15 =	vshll.u32 v15, $0x3;
	v16 =	vand.u32 $0x7F, v16  }
0xd2: {  	v14 =	vand.u32 $0x4F, v14;
	v18 =	vmov s18;
	v17 =	vshll.u32 v17, $0x3;
	[tilespmem:v9+s6+$0x0] =	vst.idx.msk $0xffff, v5  }
0xd3: {  	v7 =	vand.u32 $0x1000, v7;
	v9 =	vshll.u32 v12, $0x7;
	v12 =	vand.u32 $0xC00, v17;
	[tilespmem:v8+s6+$0x0] =	vst.idx.msk $0xffff, v5  }
0xd4: {  	v8 =	vor.u32 v13, v14;
	v13 =	vor.u32 s0, v0;
	v14 =	vand.u32 $0xC00, v15;
	[tilespmem:v10+s6+$0x0] =	vst.idx.msk $0xffff, v5  }
.Ltmp2:
0xd5: {  	v15 =	vshll.u32 v18, $0x3;
	v10 =	vand.u32 $0x5F, v13;
	v13 =	vor.u32 s7, v0;
	[tilespmem:v11+s6+$0x0] =	vst.idx.msk $0xffff, v5;
	(pc) =	sbr.rel @p0 .LBB2_6-.Ltmp2, $4  }
0xd6: {  	v8 =	vor.u32 v7, v8;
	v11 =	vor.u32 v14, v10;
	v14 =	vand.u32 $0xC00, v15  }
0xd7: {  	v10 =	vand.u32 $0x380, v9;
	v11 =	vor.u32 v7, v11;
	v14 =	vor.u32 v14, v16  }
0xd8: {  	v9 =	vor.u32 v10, v8;
	v8 =	vor.u32 v10, v11;
	v11 =	vand.u32 $0x6F, v13  }
0xd9: {  	s22 =	sadd.s32 $0x40, s22;
	s23 =	smov.u32 s24;
	v12 =	vor.u32 v12, v11;
	v11 =	vor.u32 v7, v14  }
0xda: {  	v7 =	vor.u32 v7, v12  }
0xdb: {  	v7 =	vor.u32 v10, v7  }
0xdc: {  	v63 =	vor.u32 v10, v11;
	_ =	sdelay $0x1  }
0xdd: {  	[tilespmem:v9+s6+$0x0] =	vst.idx.msk $0xffff, v5  }
0xde: {  	[tilespmem:v8+s6+$0x0] =	vst.idx.msk $0xffff, v5  }
0xdf: {  	[tilespmem:v7+s6+$0x0] =	vst.idx.msk $0xffff, v5  }
0xe0: {  	[tilespmem:v63+s6+$0x0] =	vst.idx.msk $0xffff, v5  }
.LBB2_8:
0xe1: {  	v7 =	vor.u32 s21, v0;
	_ =	sdelay $0x4  }
0xe2: {  	v8 =	vld.idx.msk [tilespmem:v7+s3+$0x0], $0xffff;
	_ =	sdelay $0x3  }
0xe3: {  	v7 =	vld.idx.msk [tilespmem:v7+s5+$0x0], $0xffff  }
0xe4: {  	v8 =	vsub.s32 v8, v1  }
0xe5: {  	vm1 =	vgt.s32 v8, $0x0  }
0xe6: {  	v9 =	vnsel vm1, $0x0, v8  }
0xe7: {  	v9 =	vmin.u32 v9, $0xF  }
0xe8: {  	v11 =	vshll.u32 v7, $0x3;
	v10 =	vshll.u32 v9, $0x9  }
0xe9: {  	v11 =	vand.u32 $0xFFFFFC00, v11;
	v9 =	vshll.u32 v9, $0x7;
	v10 =	vand.u32 $0x1000, v10  }
0xea: {  	v9 =	vand.u32 $0x380, v9;
	v10 =	vadd.s32 v11, v10  }
0xeb: {  	v7 =	vand.u32 $0x7F, v7;
	vm1 =	vlt.u32 v8, $0x10;
	v8 =	vor.u32 v9, v10  }
0xec: {  	s0 =	sadd.s32 $0x10, s21;
	v7 =	vor.u32 v7, v8  }
0xed: {  	v8 =	vor.u32 s0, v0;
	_ =	sdelay $0x3  }
0xee: {  	[tilespmem:v7+s6+$0x0] =	vst.idx.msk vm1, v6  }
0xef: {  	v7 =	vld.idx.msk [tilespmem:v8+s3+$0x0], $0xffff;
	_ =	sdelay $0x3  }
0xf0: {  	v8 =	vld.idx.msk [tilespmem:v8+s5+$0x0], $0xffff  }
0xf1: {  	v7 =	vsub.s32 v7, v1  }
0xf2: {  	vm1 =	vgt.s32 v7, $0x0  }
0xf3: {  	v55 =	vnsel vm1, $0x0, v7  }
0xf4: {  	v9 =	vmin.u32 v55, $0xF  }
0xf5: {  	v57 =	vshll.u32 v8, $0x3;
	v56 =	vshll.u32 v9, $0x9  }
0xf6: {  	v11 =	vand.u32 $0xFFFFFC00, v57;
	v9 =	vshll.u32 v9, $0x7;
	v10 =	vand.u32 $0x1000, v56  }
0xf7: {  	v9 =	vand.u32 $0x380, v9;
	v10 =	vadd.s32 v11, v10  }
0xf8: {  	vm1 =	vlt.u32 v7, $0x10;
	v7 =	vand.u32 $0x7F, v8;
	v8 =	vor.u32 v9, v10  }
0xf9: {  	s23 =	sadd.s32 $0x20, s21;
	v7 =	vor.u32 v7, v8  }
0xfa: {  	v8 =	vor.u32 s23, v0;
	_ =	sdelay $0x3  }
0xfb: {  	[tilespmem:v7+s6+$0x0] =	vst.idx.msk vm1, v6  }
0xfc: {  	v7 =	vld.idx.msk [tilespmem:v8+s3+$0x0], $0xffff;
	_ =	sdelay $0x3  }
0xfd: {  	v8 =	vld.idx.msk [tilespmem:v8+s5+$0x0], $0xffff  }
0xfe: {  	v7 =	vsub.s32 v7, v1  }
0xff: {  	vm1 =	vgt.s32 v7, $0x0  }
0x100: {  	v58 =	vnsel vm1, $0x0, v7  }
0x101: {  	v9 =	vmin.u32 v58, $0xF  }
0x102: {  	v60 =	vshll.u32 v8, $0x3;
	v59 =	vshll.u32 v9, $0x9  }
0x103: {  	v11 =	vand.u32 $0xFFFFFC00, v60;
	v9 =	vshll.u32 v9, $0x7;
	v10 =	vand.u32 $0x1000, v59  }
0x104: {  	v9 =	vand.u32 $0x380, v9;
	v10 =	vadd.s32 v11, v10  }
0x105: {  	vm1 =	vlt.u32 v7, $0x10;
	v7 =	vand.u32 $0x7F, v8;
	v8 =	vor.u32 v9, v10  }
0x106: {  	s24 =	sadd.s32 $0x30, s21;
	v7 =	vor.u32 v7, v8  }
0x107: {  	v8 =	vor.u32 s24, v0;
	_ =	sdelay $0x3  }
0x108: {  	[tilespmem:v7+s6+$0x0] =	vst.idx.msk vm1, v6  }
0x109: {  	v7 =	vld.idx.msk [tilespmem:v8+s3+$0x0], $0xffff;
	_ =	sdelay $0x3  }
0x10a: {  	v8 =	vld.idx.msk [tilespmem:v8+s5+$0x0], $0xffff  }
0x10b: {  	v7 =	vsub.s32 v7, v1  }
0x10c: {  	vm1 =	vgt.s32 v7, $0x0  }
0x10d: {  	v61 =	vnsel vm1, $0x0, v7  }
0x10e: {  	v9 =	vmin.u32 v61, $0xF  }
0x10f: {  	v63 =	vshll.u32 v8, $0x3;
	v62 =	vshll.u32 v9, $0x9  }
0x110: {  	v11 =	vand.u32 $0xFFFFFC00, v63;
	v9 =	vshll.u32 v9, $0x7;
	v10 =	vand.u32 $0x1000, v62  }
0x111: {  	v9 =	vand.u32 $0x380, v9;
	v10 =	vadd.s32 v11, v10  }
0x112: {  	vm1 =	vlt.u32 v7, $0x10;
	v7 =	vand.u32 $0x7F, v8;
	v8 =	vor.u32 v9, v10  }
0x113: {  	p0 =	sne.s32 s21, $0x7C0;
	v7 =	vor.u32 v7, v8  }
.Ltmp3:
0x114: {  	_ = 	snop;
	(pc) =	sbr.rel @p0 .LBB2_8-.Ltmp3, $2  }
0x115: {  	_ =	sdelay $0x2  }
0x116: {  	s21 =	sadd.s32 $0x40, s21;
	[tilespmem:v7+s6+$0x0] =	vst.idx.msk vm1, v6  }
0x117: {  	s0 =	simm.s32 $0x0;
	s7 =	rddreg [dreg:$0xd]  }
0x118: {  	[hbm4b:s7+s0] =	stream.linear.scatter [tilespmem:s6], [sflag:$0x2], $0x2000, $0x38;
	[tilespmem:$0x15280] =	vst v63  }
0x119: {  	_ =	swait.ge [sflag:s30], $0x2000  }
0x11a: {  	v7 =	vor.u32 s0, v0;
	[sflag:s30] =	ssyncset.done $0x0  }
0x11b: {  	s23 =	simm.s32 $0x1;
	[sflag:s30] =	ssyncadd.s32 $0xFFFFE000  }
0x11c: {  	_ =	swait.ge [sflag:s23], $0x10000  }
0x11d: {  	[sflag:s23] =	ssyncset.done $0x0  }
0x11e: {  	[sflag:s23] =	ssyncadd.s32 $0xFFFF0000  }
0x11f: {  	v8 =	vld.idx.msk [tilespmem:v7+s31+$0x0], $0xffff;
	_ =	sdelay $0x4  }
0x120: {  	v9 =	vshll.u32 v8, $0x3  }
0x121: {  	v8 =	vand.u32 $0x7F, v8;
	v9 =	vand.u32 $0xFFFFFC00, v9  }
0x122: {  	v8 =	vor.u32 v8, v9;
	_ =	sdelay $0x1  }
0x123: {  	v9 =	vmov s0  }
0x124: {  	v9 =	vshll.u32 v9, $0x3  }
0x125: {  	v7 =	vand.u32 $0x7F, v7;
	v10 =	vand.u32 $0xC00, v9  }
0x126: {  	v10 =	vor.u32 v7, v10;
	v11 =	vld.idx.msk [tilespmem:v8+s1+$0x0], $0xffff  }
0x127: {  	v12 =	vor.u32 $0x80, v8;
	_ =	sdelay $0x3  }
0x128: {  	[tilespmem:v10+s19+$0x0] =	vst.idx.msk $0xffff, v11  }
0x129: {  	v11 =	vld.idx.msk [tilespmem:v12+s1+$0x0], $0xffff;
	v12 =	vor.u32 $0x80, v10  }
0x12a: {  	v13 =	vor.u32 $0x100, v8;
	_ =	sdelay $0x3  }
0x12b: {  	[tilespmem:v12+s19+$0x0] =	vst.idx.msk $0xffff, v11  }
0x12c: {  	v12 =	vor.u32 $0x100, v10;
	v11 =	vld.idx.msk [tilespmem:v13+s1+$0x0], $0xffff  }
0x12d: {  	v13 =	vor.u32 $0x180, v8;
	_ =	sdelay $0x3  }
0x12e: {  	[tilespmem:v12+s19+$0x0] =	vst.idx.msk $0xffff, v11  }
0x12f: {  	v12 =	vor.u32 $0x180, v10;
	v11 =	vld.idx.msk [tilespmem:v13+s1+$0x0], $0xffff  }
0x130: {  	v13 =	vor.u32 $0x200, v8;
	_ =	sdelay $0x3  }
0x131: {  	[tilespmem:v12+s19+$0x0] =	vst.idx.msk $0xffff, v11  }
0x132: {  	v12 =	vor.u32 $0x200, v10;
	v11 =	vld.idx.msk [tilespmem:v13+s1+$0x0], $0xffff  }
0x133: {  	v13 =	vor.u32 $0x280, v8;
	_ =	sdelay $0x3  }
0x134: {  	[tilespmem:v12+s19+$0x0] =	vst.idx.msk $0xffff, v11  }
0x135: {  	v12 =	vor.u32 $0x280, v10;
	v11 =	vld.idx.msk [tilespmem:v13+s1+$0x0], $0xffff  }
0x136: {  	v13 =	vor.u32 $0x300, v8;
	_ =	sdelay $0x3  }
0x137: {  	[tilespmem:v12+s19+$0x0] =	vst.idx.msk $0xffff, v11  }
0x138: {  	v12 =	vor.u32 $0x300, v10;
	v11 =	vld.idx.msk [tilespmem:v13+s1+$0x0], $0xffff  }
0x139: {  	v13 =	vor.u32 $0x380, v8;
	_ =	sdelay $0x3  }
0x13a: {  	v7 =	vor.u32 v9, v7;
	[tilespmem:v12+s19+$0x0] =	vst.idx.msk $0xffff, v11  }
0x13b: {  	v11 =	vor.u32 $0x380, v7;
	v9 =	vld.idx.msk [tilespmem:v13+s1+$0x0], $0xffff  }
0x13c: {  	v12 =	vadd.s32 $0x8000, v8;
	_ =	sdelay $0x3  }
0x13d: {  	[tilespmem:v11+s19+$0x0] =	vst.idx.msk $0xffff, v9  }
0x13e: {  	v11 =	vor.u32 $0x1000, v10;
	v9 =	vld.idx.msk [tilespmem:v12+s1+$0x0], $0xffff  }
0x13f: {  	v12 =	vadd.s32 $0x8080, v8;
	_ =	sdelay $0x3  }
0x140: {  	[tilespmem:v11+s19+$0x0] =	vst.idx.msk $0xffff, v9  }
0x141: {  	v11 =	vor.u32 $0x1080, v10;
	v9 =	vld.idx.msk [tilespmem:v12+s1+$0x0], $0xffff  }
0x142: {  	v12 =	vadd.s32 $0x8100, v8;
	_ =	sdelay $0x3  }
0x143: {  	[tilespmem:v11+s19+$0x0] =	vst.idx.msk $0xffff, v9  }
0x144: {  	v11 =	vor.u32 $0x1100, v10;
	v9 =	vld.idx.msk [tilespmem:v12+s1+$0x0], $0xffff  }
0x145: {  	v12 =	vadd.s32 $0x8180, v8;
	_ =	sdelay $0x3  }
0x146: {  	[tilespmem:v11+s19+$0x0] =	vst.idx.msk $0xffff, v9  }
0x147: {  	v11 =	vor.u32 $0x1180, v10;
	v9 =	vld.idx.msk [tilespmem:v12+s1+$0x0], $0xffff  }
0x148: {  	v12 =	vadd.s32 $0x8200, v8;
	_ =	sdelay $0x3  }
0x149: {  	[tilespmem:v11+s19+$0x0] =	vst.idx.msk $0xffff, v9  }
0x14a: {  	v11 =	vor.u32 $0x1200, v10;
	v9 =	vld.idx.msk [tilespmem:v12+s1+$0x0], $0xffff  }
0x14b: {  	v12 =	vadd.s32 $0x8280, v8;
	_ =	sdelay $0x3  }
0x14c: {  	[tilespmem:v11+s19+$0x0] =	vst.idx.msk $0xffff, v9  }
0x14d: {  	v11 =	vor.u32 $0x1280, v10;
	v9 =	vld.idx.msk [tilespmem:v12+s1+$0x0], $0xffff  }
0x14e: {  	v12 =	vadd.s32 $0x8300, v8;
	_ =	sdelay $0x3  }
0x14f: {  	[tilespmem:v11+s19+$0x0] =	vst.idx.msk $0xffff, v9  }
0x150: {  	v10 =	vor.u32 $0x1300, v10;
	v9 =	vld.idx.msk [tilespmem:v12+s1+$0x0], $0xffff  }
0x151: {  	v11 =	vadd.s32 $0x8380, v8;
	_ =	sdelay $0x2  }
0x152: {  	s24 =	simm.s32 $0x10  }
0x153: {  	v12 =	vmov s24;
	[tilespmem:v10+s19+$0x0] =	vst.idx.msk $0xffff, v9  }
0x154: {  	v10 =	vshll.u32 v12, $0x3;
	v12 =	vor.u32 $0x1380, v7;
	v11 =	vld.idx.msk [tilespmem:v11+s1+$0x0], $0xffff  }
0x155: {  	v8 =	vor.u32 s24, v0  }
0x156: {  	v9 =	vand.u32 $0x7F, v8  }
0x157: {  	s21 =	simm.s32 $0x20;
	v7 =	vor.u32 v10, v9  }
.LBB2_10:
0x158: {  	_ = 	snop  }
0x159: {  	p0 =	sne.s32 s21, $0x1F0;
	[tilespmem:v12+s19+$0x0] =	vst.idx.msk $0xffff, v11;
	s22 =	smov.u32 s21;
	s21 =	sadd.s32 $0x10, s21  }
0x15a: {  	v8 =	vld.idx.msk [tilespmem:v8+s31+$0x0], $0xffff;
	_ =	sdelay $0x5  }
0x15b: {  	v11 =	vshll.u32 v8, $0x3  }
0x15c: {  	v8 =	vand.u32 $0x7F, v8;
	v11 =	vand.u32 $0xFFFFFC00, v11  }
0x15d: {  	v8 =	vor.u32 v8, v11;
	_ =	sdelay $0x4  }
0x15e: {  	v10 =	vand.u32 $0xC00, v10;
	v11 =	vld.idx.msk [tilespmem:v8+s1+$0x0], $0xffff  }
0x15f: {  	v9 =	vor.u32 v9, v10  }
0x160: {  	v10 =	vor.u32 $0x80, v8;
	_ =	sdelay $0x3  }
0x161: {  	[tilespmem:v9+s19+$0x0] =	vst.idx.msk $0xffff, v11  }
0x162: {  	v10 =	vld.idx.msk [tilespmem:v10+s1+$0x0], $0xffff  }
0x163: {  	v11 =	vor.u32 $0x80, v9  }
0x164: {  	v12 =	vor.u32 $0x100, v8;
	_ =	sdelay $0x3  }
0x165: {  	[tilespmem:v11+s19+$0x0] =	vst.idx.msk $0xffff, v10  }
0x166: {  	v10 =	vld.idx.msk [tilespmem:v12+s1+$0x0], $0xffff  }
0x167: {  	v11 =	vor.u32 $0x100, v9  }
0x168: {  	v12 =	vor.u32 $0x180, v8;
	_ =	sdelay $0x3  }
0x169: {  	[tilespmem:v11+s19+$0x0] =	vst.idx.msk $0xffff, v10  }
0x16a: {  	v10 =	vld.idx.msk [tilespmem:v12+s1+$0x0], $0xffff  }
0x16b: {  	v11 =	vor.u32 $0x180, v9  }
0x16c: {  	v12 =	vor.u32 $0x200, v8;
	_ =	sdelay $0x3  }
0x16d: {  	[tilespmem:v11+s19+$0x0] =	vst.idx.msk $0xffff, v10  }
0x16e: {  	v10 =	vld.idx.msk [tilespmem:v12+s1+$0x0], $0xffff  }
0x16f: {  	v11 =	vor.u32 $0x200, v9  }
0x170: {  	v12 =	vor.u32 $0x280, v8;
	_ =	sdelay $0x3  }
0x171: {  	[tilespmem:v11+s19+$0x0] =	vst.idx.msk $0xffff, v10  }
0x172: {  	v10 =	vld.idx.msk [tilespmem:v12+s1+$0x0], $0xffff  }
0x173: {  	v11 =	vor.u32 $0x280, v9  }
0x174: {  	v12 =	vor.u32 $0x300, v8;
	_ =	sdelay $0x3  }
0x175: {  	[tilespmem:v11+s19+$0x0] =	vst.idx.msk $0xffff, v10  }
0x176: {  	v10 =	vld.idx.msk [tilespmem:v12+s1+$0x0], $0xffff  }
0x177: {  	v11 =	vor.u32 $0x300, v9  }
0x178: {  	v12 =	vor.u32 $0x380, v8;
	_ =	sdelay $0x3  }
0x179: {  	[tilespmem:v11+s19+$0x0] =	vst.idx.msk $0xffff, v10  }
0x17a: {  	v10 =	vld.idx.msk [tilespmem:v12+s1+$0x0], $0xffff  }
0x17b: {  	v11 =	vor.u32 $0x380, v7  }
0x17c: {  	v12 =	vadd.s32 $0x8000, v8;
	_ =	sdelay $0x3  }
0x17d: {  	[tilespmem:v11+s19+$0x0] =	vst.idx.msk $0xffff, v10  }
0x17e: {  	v10 =	vld.idx.msk [tilespmem:v12+s1+$0x0], $0xffff  }
0x17f: {  	v11 =	vor.u32 $0x1000, v9  }
0x180: {  	v12 =	vadd.s32 $0x8080, v8;
	_ =	sdelay $0x3  }
0x181: {  	[tilespmem:v11+s19+$0x0] =	vst.idx.msk $0xffff, v10  }
0x182: {  	v10 =	vld.idx.msk [tilespmem:v12+s1+$0x0], $0xffff  }
0x183: {  	v11 =	vor.u32 $0x1080, v9  }
0x184: {  	v12 =	vadd.s32 $0x8100, v8;
	_ =	sdelay $0x3  }
0x185: {  	[tilespmem:v11+s19+$0x0] =	vst.idx.msk $0xffff, v10  }
0x186: {  	v10 =	vld.idx.msk [tilespmem:v12+s1+$0x0], $0xffff  }
0x187: {  	v11 =	vor.u32 $0x1100, v9  }
0x188: {  	v12 =	vadd.s32 $0x8180, v8;
	_ =	sdelay $0x3  }
0x189: {  	[tilespmem:v11+s19+$0x0] =	vst.idx.msk $0xffff, v10  }
0x18a: {  	v10 =	vld.idx.msk [tilespmem:v12+s1+$0x0], $0xffff  }
0x18b: {  	v11 =	vor.u32 $0x1180, v9  }
0x18c: {  	v12 =	vadd.s32 $0x8200, v8;
	_ =	sdelay $0x3  }
0x18d: {  	[tilespmem:v11+s19+$0x0] =	vst.idx.msk $0xffff, v10  }
0x18e: {  	v10 =	vld.idx.msk [tilespmem:v12+s1+$0x0], $0xffff  }
0x18f: {  	v11 =	vor.u32 $0x1200, v9  }
0x190: {  	v12 =	vadd.s32 $0x8280, v8;
	_ =	sdelay $0x3  }
0x191: {  	[tilespmem:v11+s19+$0x0] =	vst.idx.msk $0xffff, v10  }
0x192: {  	v10 =	vld.idx.msk [tilespmem:v12+s1+$0x0], $0xffff  }
0x193: {  	v11 =	vor.u32 $0x1280, v9  }
0x194: {  	v12 =	vadd.s32 $0x8300, v8;
	_ =	sdelay $0x3  }
0x195: {  	[tilespmem:v11+s19+$0x0] =	vst.idx.msk $0xffff, v10  }
0x196: {  	v10 =	vld.idx.msk [tilespmem:v12+s1+$0x0], $0xffff  }
0x197: {  	v9 =	vor.u32 $0x1300, v9  }
0x198: {  	v8 =	vadd.s32 $0x8380, v8;
	_ =	sdelay $0x3  }
0x199: {  	[tilespmem:v9+s19+$0x0] =	vst.idx.msk $0xffff, v10  }
.Ltmp4:
0x19a: {  	v11 =	vld.idx.msk [tilespmem:v8+s1+$0x0], $0xffff;
	(pc) =	sbr.rel @p0 .LBB2_10-.Ltmp4, $4  }
0x19b: {  	v12 =	vor.u32 $0x1380, v7  }
0x19c: {  	v7 =	vmov s22;
	v8 =	vor.u32 s22, v0  }
0x19d: {  	v10 =	vshll.u32 v7, $0x3;
	v9 =	vand.u32 $0x7F, v8  }
0x19e: {  	v7 =	vor.u32 v10, v9  }
0x19f: {  	_ =	sdelay $0x3  }
0x1a0: {  	[tilespmem:v12+s19+$0x0] =	vst.idx.msk $0xffff, v11  }
0x1a1: {  	v8 =	vld.idx.msk [tilespmem:v8+s31+$0x0], $0xffff;
	_ =	sdelay $0x4  }
0x1a2: {  	v36 =	vshll.u32 v8, $0x3  }
0x1a3: {  	v8 =	vand.u32 $0x7F, v8;
	v11 =	vand.u32 $0xFFFFFC00, v36  }
0x1a4: {  	v8 =	vor.u32 v8, v11;
	_ =	sdelay $0x3  }
0x1a5: {  	v10 =	vand.u32 $0xC00, v10  }
0x1a6: {  	v9 =	vor.u32 v9, v10;
	v11 =	vld.idx.msk [tilespmem:v8+s1+$0x0], $0xffff  }
0x1a7: {  	v37 =	vor.u32 $0x80, v8;
	_ =	sdelay $0x3  }
0x1a8: {  	[tilespmem:v9+s19+$0x0] =	vst.idx.msk $0xffff, v11  }
0x1a9: {  	v38 =	vor.u32 $0x80, v9;
	v10 =	vld.idx.msk [tilespmem:v37+s1+$0x0], $0xffff  }
0x1aa: {  	v39 =	vor.u32 $0x100, v8;
	_ =	sdelay $0x3  }
0x1ab: {  	[tilespmem:v38+s19+$0x0] =	vst.idx.msk $0xffff, v10  }
0x1ac: {  	v40 =	vor.u32 $0x100, v9;
	v10 =	vld.idx.msk [tilespmem:v39+s1+$0x0], $0xffff  }
0x1ad: {  	v41 =	vor.u32 $0x180, v8;
	_ =	sdelay $0x3  }
0x1ae: {  	[tilespmem:v40+s19+$0x0] =	vst.idx.msk $0xffff, v10  }
0x1af: {  	v42 =	vor.u32 $0x180, v9;
	v10 =	vld.idx.msk [tilespmem:v41+s1+$0x0], $0xffff  }
0x1b0: {  	v43 =	vor.u32 $0x200, v8;
	_ =	sdelay $0x3  }
0x1b1: {  	[tilespmem:v42+s19+$0x0] =	vst.idx.msk $0xffff, v10  }
0x1b2: {  	v44 =	vor.u32 $0x200, v9;
	v10 =	vld.idx.msk [tilespmem:v43+s1+$0x0], $0xffff  }
0x1b3: {  	v45 =	vor.u32 $0x280, v8;
	_ =	sdelay $0x3  }
0x1b4: {  	[tilespmem:v44+s19+$0x0] =	vst.idx.msk $0xffff, v10  }
0x1b5: {  	v46 =	vor.u32 $0x280, v9;
	v10 =	vld.idx.msk [tilespmem:v45+s1+$0x0], $0xffff  }
0x1b6: {  	v47 =	vor.u32 $0x300, v8;
	_ =	sdelay $0x3  }
0x1b7: {  	[tilespmem:v46+s19+$0x0] =	vst.idx.msk $0xffff, v10  }
0x1b8: {  	v48 =	vor.u32 $0x300, v9;
	v10 =	vld.idx.msk [tilespmem:v47+s1+$0x0], $0xffff  }
0x1b9: {  	v49 =	vor.u32 $0x380, v8;
	_ =	sdelay $0x3  }
0x1ba: {  	[tilespmem:v48+s19+$0x0] =	vst.idx.msk $0xffff, v10  }
0x1bb: {  	v50 =	vor.u32 $0x380, v7;
	v10 =	vld.idx.msk [tilespmem:v49+s1+$0x0], $0xffff  }
0x1bc: {  	v51 =	vadd.s32 $0x8000, v8;
	_ =	sdelay $0x3  }
0x1bd: {  	[tilespmem:v50+s19+$0x0] =	vst.idx.msk $0xffff, v10  }
0x1be: {  	v52 =	vor.u32 $0x1000, v9;
	v10 =	vld.idx.msk [tilespmem:v51+s1+$0x0], $0xffff  }
0x1bf: {  	v53 =	vadd.s32 $0x8080, v8;
	_ =	sdelay $0x3  }
0x1c0: {  	[tilespmem:v52+s19+$0x0] =	vst.idx.msk $0xffff, v10  }
0x1c1: {  	v54 =	vor.u32 $0x1080, v9;
	v10 =	vld.idx.msk [tilespmem:v53+s1+$0x0], $0xffff  }
0x1c2: {  	v55 =	vadd.s32 $0x8100, v8;
	_ =	sdelay $0x3  }
0x1c3: {  	[tilespmem:v54+s19+$0x0] =	vst.idx.msk $0xffff, v10  }
0x1c4: {  	v56 =	vor.u32 $0x1100, v9;
	v10 =	vld.idx.msk [tilespmem:v55+s1+$0x0], $0xffff  }
0x1c5: {  	v57 =	vadd.s32 $0x8180, v8;
	_ =	sdelay $0x3  }
0x1c6: {  	[tilespmem:v56+s19+$0x0] =	vst.idx.msk $0xffff, v10  }
0x1c7: {  	v58 =	vor.u32 $0x1180, v9;
	v10 =	vld.idx.msk [tilespmem:v57+s1+$0x0], $0xffff  }
0x1c8: {  	v59 =	vadd.s32 $0x8200, v8;
	_ =	sdelay $0x3  }
0x1c9: {  	[tilespmem:v58+s19+$0x0] =	vst.idx.msk $0xffff, v10  }
0x1ca: {  	v60 =	vor.u32 $0x1200, v9;
	v10 =	vld.idx.msk [tilespmem:v59+s1+$0x0], $0xffff  }
0x1cb: {  	v61 =	vadd.s32 $0x8280, v8;
	_ =	sdelay $0x3  }
0x1cc: {  	[tilespmem:v60+s19+$0x0] =	vst.idx.msk $0xffff, v10  }
0x1cd: {  	v62 =	vor.u32 $0x1280, v9;
	v10 =	vld.idx.msk [tilespmem:v61+s1+$0x0], $0xffff  }
0x1ce: {  	v63 =	vadd.s32 $0x8300, v8;
	_ =	sdelay $0x3  }
0x1cf: {  	[tilespmem:v62+s19+$0x0] =	vst.idx.msk $0xffff, v10  }
0x1d0: {  	v9 =	vor.u32 $0x1300, v9;
	v10 =	vld.idx.msk [tilespmem:v63+s1+$0x0], $0xffff  }
0x1d1: {  	v8 =	vadd.s32 $0x8380, v8;
	_ =	sdelay $0x3  }
0x1d2: {  	[tilespmem:v9+s19+$0x0] =	vst.idx.msk $0xffff, v10  }
0x1d3: {  	v7 =	vor.u32 $0x1380, v7;
	v8 =	vld.idx.msk [tilespmem:v8+s1+$0x0], $0xffff;
	_ =	sdelay $0x4  }
0x1d4: {  	s0 =	rddreg [dreg:$0xe];
	[tilespmem:v7+s19+$0x0] =	vst.idx.msk $0xffff, v8  }
0x1d5: {  	[hbm4b:s0+s4] =	stream.linear.scatter [tilespmem:s19], [sflag:$0x2], $0x2000, $0x38;
	[tilespmem:$0x15280] =	vst v63  }
0x1d6: {  	_ =	swait.ge [sflag:s30], $0x2000  }
0x1d7: {  	s20 =	sadd.s32 $0x1, s20;
	s24 =	rddreg [dreg:$0x11]  }
0x1d8: {  	p0 =	sne.s32 s20, s24  }
.Ltmp5:
0x1d9: {  	_ = 	snop;
	(pc) =	sbr.rel @p0 .LBB2_1-.Ltmp5, $3  }
0x1da: {  	_ =	sdelay $0x1  }
0x1db: {  	[sflag:s30] =	ssyncset.done $0x0  }
0x1dc: {  	[sflag:s30] =	ssyncadd.s32 $0xFFFFE000  }
0x1dd: {  	_ =	sfence.sel $0x180000  }
0x1de: {  	[bflag:$0x0] =	sbarrier.arrive $0xFFFF  }
0x1df: {  	_ =	strace $0x90000047  }
0x1e0: {  	s0 =	stileid.u32;
	[bflag:$0x2] =	sbarrier.arrive $0xFFFF  }
0x1e1: {  	p0 =	sne.s32 s0, $0x0;
	s0 =	rddreg [dreg:$0x7]  }
0x1e2: {  	s0 =	sadd.s32 @!p0 $0x100000, s0  }
0x1e3: {  	[sflag:s0] =	ssyncadd.tile.s32 @!p0 $0x1;
	_ =	shalt  }
.Lfunc_end2:
_tile_overlayer_lowered:
.L_overlay_start_2:
0x1e4: {  	(tag) =	ssettag $0x2  }
0x1e5: {  	s0 =	rddreg [dreg:$0x0];
	s2 =	stileid.u32  }
0x1e6: {  	s1 =	rddreg [dreg:$0x1];
	p0 =	sne.s32 s2, $0x0  }
0x1e7: {  	s3 =	rddreg [dreg:$0x2];
	[bflag:$0x3] =	sbarrier.arrive $0xFFFF;
	s2 =	simm.s32 @!p0 $0x1C02  }
0x1e8: {  	[timem:s3], [sflag:s2] =	dma.local @!p0 [hbm:s0], s1  }
0x1e9: {  	s0 =	simm.s32 @!p0 $0x2  }
0x1ea: {  	_ =	swait.ge @!p0 [sflag:s0], s1  }
0x1eb: {  	s1 =	ssub.s32 @!p0 $0x0, s1;
	[sflag:s0] =	ssyncset.done @!p0 $0x0  }
0x1ec: {  	[sflag:s0] =	ssyncadd.s32 @!p0 s1  }
0x1ed: {  	[bflag:$0x3] =	sbarrier.arrive $0xFFFF  }
0x1ee: {  	_ =	shalt  }

</sc_bundles>
